<compile_context>
chip_gen: v7x
topology: tpu7x:2x2x1
jax: 0.10.2.dev20260603
libtpu: 0.0.44.dev20260713+nightly
codegen_flags: <defaults>
</compile_context>

<pallas_src>
import functools

import jax
import jax.numpy as jnp
from jax import lax
from jax.experimental import pallas as pl
from jax.experimental.pallas import tpu as pltpu
from jax.experimental.pallas import tpu_sc as plsc

C_KM_S = 299792.458
N_NATIVE = 16384
N_DATA = 2048
NW = 32
BW = N_DATA // NW
SLICE = 352
NP = 320
L = 16


def _sc_body(wl_data_hbm, wln_hbm, flux_hbm, params_hbm, out_hbm,
             wl_data_v, wln_v, flux_v, params_v,
             sums_v, counts_v, out_v):
    wid = lax.axis_index("s") * 2 + lax.axis_index("c")

    pltpu.sync_copy(params_hbm, params_v)
    pltpu.sync_copy(wl_data_hbm, wl_data_v)

    pv = params_v[pl.ds(0, L)]
    rv = pv[0]
    wl0 = pv[1]
    wlmax = pv[2]
    inv_dx = pv[3]
    dx = pv[4]
    sconst = pv[5]
    a_nat = pv[6]
    inv_h = pv[7]
    lbs = pv[8]
    inv_rv = pv[9]

    bnd = wl0 + (jnp.float32(BW) * wid.astype(jnp.float32)
                 - jnp.float32(0.5)) * dx
    pixf = jnp.maximum((bnd * inv_rv - a_nat) * inv_h, jnp.float32(0.0))
    base = pixf.astype(jnp.int32) - 14
    base = jnp.bitwise_and(base, jnp.int32(-8))
    base = jnp.clip(base, 0, N_NATIVE - SLICE)
    base = pl.multiple_of(base, 8)

    pltpu.sync_copy(flux_hbm.at[pl.ds(base, SLICE)], flux_v)
    pltpu.sync_copy(wln_hbm.at[pl.ds(base, SLICE)], wln_v)

    lane = lax.iota(jnp.int32, L).astype(jnp.float32)
    sig = jnp.exp(jnp.full((L,), lbs, jnp.float32))
    x0 = (lane - 10.0) / sig
    x1 = (lane + 6.0) / sig
    w0 = jnp.exp(-0.5 * x0 * x0)
    w1 = jnp.where(lane < 5.0, jnp.exp(-0.5 * x1 * x1), jnp.float32(0.0))
    raw_taps = [w0[t] for t in range(L)] + [w1[t] for t in range(5)]
    ksum = raw_taps[0]
    for t in range(1, 21):
        ksum = ksum + raw_taps[t]
    inv_ks_vec = jnp.ones((L,), jnp.float32) / jnp.full((L,), ksum, jnp.float32)
    inv_ksum = inv_ks_vec[0]
    taps = [t * inv_ksum for t in raw_taps]

    zeros = jnp.zeros((L,), jnp.float32)
    for j in range(BW // L):
        sums_v[pl.ds(j * L, L)] = zeros
        counts_v[pl.ds(j * L, L)] = zeros

    ones = jnp.ones((L,), jnp.float32)
    lo_bin = wid * BW

    def step(i, carry):
        off = i * L
        acc = taps[0] * flux_v[pl.ds(off, L)]
        for t in range(1, 21):
            acc = acc + taps[t] * flux_v[pl.ds(off + t, L)]
        ws = wln_v[pl.ds(off + 10, L)] * rv
        tpos = jnp.clip((ws - wl0) * inv_dx + 0.5,
                        jnp.float32(0.0), jnp.float32(N_DATA - 1))
        d0 = tpos.astype(jnp.int32)
        im = jnp.maximum(d0 - 1, 0)
        ip = jnp.minimum(d0 + 1, N_DATA - 1)
        wa = plsc.load_gather(wl_data_v, [im])
        wb = plsc.load_gather(wl_data_v, [d0])
        wc = plsc.load_gather(wl_data_v, [ip])
        da = (wa - ws) * (wa - ws)
        db = (wb - ws) * (wb - ws)
        dc = (wc - ws) * (wc - ws)
        best = im
        bd = da
        pick = db < bd
        best = jnp.where(pick, d0, best)
        bd = jnp.where(pick, db, bd)
        best = jnp.where(dc < bd, ip, best)
        mask = ((ws > wl0) & (ws < wlmax)
                & (best >= lo_bin) & (best < lo_bin + BW))
        lid = jnp.clip(best - lo_bin, 0, BW - 1)
        plsc.addupdate_scatter(sums_v, [lid], acc, mask=mask)
        plsc.addupdate_scatter(counts_v, [lid], ones, mask=mask)
        return carry

    lax.fori_loop(0, NP // L, step, 0)

    for j in range(BW // L):
        s = sums_v[pl.ds(j * L, L)]
        c = counts_v[pl.ds(j * L, L)]
        out_v[pl.ds(j * L, L)] = s / c * sconst

    obase = pl.multiple_of(wid * BW, 8)
    pltpu.sync_copy(out_v, out_hbm.at[pl.ds(obase, BW)])


@jax.jit
def _run(wl_data, wl_native, flux_native, params):
    mesh = plsc.VectorSubcoreMesh(core_axis_name="c", subcore_axis_name="s")
    f = functools.partial(
        pl.kernel,
        out_type=jax.ShapeDtypeStruct((N_DATA,), jnp.float32),
        mesh=mesh,
        compiler_params=pltpu.CompilerParams(needs_layout_passes=False),
        scratch_types=[
            pltpu.VMEM((N_DATA,), jnp.float32),
            pltpu.VMEM((SLICE,), jnp.float32),
            pltpu.VMEM((SLICE,), jnp.float32),
            pltpu.VMEM((L,), jnp.float32),
            pltpu.VMEM((BW,), jnp.float32),
            pltpu.VMEM((BW,), jnp.float32),
            pltpu.VMEM((BW,), jnp.float32),
        ],
    )(_sc_body)
    return f(wl_data, wl_native, flux_native, params)


def kernel(wl_data, wl_native, flux_native, scalar_const, v_z, log_blur_size):
    rv = jnp.sqrt((C_KM_S + v_z) / (C_KM_S - v_z))
    wl0 = wl_data[0]
    wlmax = wl_data[-1]
    dx = (wlmax - wl0) / jnp.float32(N_DATA - 1)
    a_nat = wl_native[0]
    h = (wl_native[-1] - a_nat) / jnp.float32(N_NATIVE - 1)
    params = jnp.stack([
        rv, wl0, wlmax, 1.0 / dx, dx,
        jnp.asarray(scalar_const, jnp.float32),
        a_nat, 1.0 / h,
        jnp.asarray(log_blur_size, jnp.float32),
        1.0 / rv, jnp.float32(0), jnp.float32(0),
        jnp.float32(0), jnp.float32(0), jnp.float32(0), jnp.float32(0),
    ]).astype(jnp.float32)
    return _run(wl_data, wl_native, flux_native, params)

# --- scband reference (transcript-rebuilt; emitter-appended) ---
"""Pipeline reference for scband-multi-order-58299886076400 (READ-ONLY COPY).

The authoritative reference and input builder live on the scoring server;
editing this copy changes nothing except your own understanding.
"""

import jax, jax.numpy as jnp
import numpy as np

C_KM_S = 299792.458
N_NATIVE = 16384
N_DATA = 2048
WL_0 = 9773.25
WL_MAX = 9899.2825


def _gauss_blur(flux, log_blur_size):
    # kornia.filters.gaussian_blur2d with kernel_size=(1,21), reflect padding, on a 1D signal
    sigma = jnp.exp(log_blur_size)
    x = jnp.arange(-10, 11, dtype=flux.dtype)
    k = jnp.exp(-0.5 * (x / sigma) ** 2)
    k = k / jnp.sum(k)
    padded = jnp.pad(flux, (10, 10), mode='reflect')
    return jnp.convolve(padded, k, mode='valid')


def setup_inputs(seed: int = 0) -> dict:
    key = jax.random.key(seed)
    k1, _ = jax.random.split(key)
    wl_data = jnp.linspace(WL_0, WL_MAX, N_DATA, dtype=jnp.float32)
    wl_native = jnp.linspace(WL_0 * 0.995, WL_MAX * 1.005, N_NATIVE, dtype=jnp.float32)
    flux_native = jax.random.uniform(k1, (N_NATIVE,), dtype=jnp.float32, minval=0.5, maxval=1.5)
    flux_native = flux_native / jnp.median(flux_native)
    return {
        'wl_data': wl_data,
        'wl_native': wl_native,
        'flux_native': flux_native,
        'scalar_const': jnp.asarray(200.0, dtype=jnp.float32),
        'v_z': jnp.asarray(0.0, dtype=jnp.float32),
        'log_blur_size': jnp.asarray(1.67, dtype=jnp.float32),
    }


def reference(wl_data, wl_native, flux_native, scalar_const, v_z, log_blur_size):
    smoothed_flux = _gauss_blur(flux_native, log_blur_size)
    rv_shift = jnp.sqrt((C_KM_S + v_z) / (C_KM_S - v_z))
    wl_shifted = wl_native * rv_shift
    wl_0 = wl_data[0]
    wl_max = wl_data[-1]
    trim_mask = (wl_shifted > wl_0) & (wl_shifted < wl_max)
    mask_f = trim_mask.astype(smoothed_flux.dtype)
    dist = (wl_data[:, None] - wl_shifted[None, :]) ** 2
    indices = jnp.argmin(dist, axis=0)
    sums = jax.ops.segment_sum(smoothed_flux * mask_f, indices, num_segments=N_DATA)
    counts = jax.ops.segment_sum(mask_f, indices, num_segments=N_DATA)
    resampled_model_flux = sums / counts
    return resampled_model_flux * scalar_const

if __name__ == "__main__":
    import jax
    _d = setup_inputs()
    print(jax.jit(kernel)(*tuple(_d.values())))

</pallas_src>

<mosaic_0001>
#map = affine_map<(d0, d1) -> (0)>
module attributes {stable_mosaic.version = 14 : i64} {
  func.func @_sc_body(%arg0: i32, %arg1: i32, %arg2: memref<2048xf32, #tpu.memory_space<hbm>>, %arg3: memref<16384xf32, #tpu.memory_space<hbm>>, %arg4: memref<16384xf32, #tpu.memory_space<hbm>>, %arg5: memref<16xf32, #tpu.memory_space<hbm>>, %arg6: memref<2048xf32, #tpu.memory_space<hbm>>, %arg7: memref<2048xf32, #tpu.memory_space<vmem>>, %arg8: memref<352xf32, #tpu.memory_space<vmem>>, %arg9: memref<352xf32, #tpu.memory_space<vmem>>, %arg10: memref<16xf32, #tpu.memory_space<vmem>>, %arg11: memref<64xf32, #tpu.memory_space<vmem>>, %arg12: memref<64xf32, #tpu.memory_space<vmem>>, %arg13: memref<64xf32, #tpu.memory_space<vmem>>) attributes {dimension_semantics = [#tpu.dimension_semantics<core_parallel>, #tpu.dimension_semantics<subcore_parallel>], iteration_bounds = array<i64: 2, 16>, scalar_prefetch = 0 : i64, scratch_operands = 7 : i64, tpu.core_type = #tpu.core_type<sc_vector_subcore>, window_params = [{transform_indices = #map}, {transform_indices = #map}, {transform_indices = #map}, {transform_indices = #map}, {transform_indices = #map}]} {
    %mul3A = arith.constant 2 : i32
    %mul3A_0 = arith.muli %arg1, %mul3A : i32
    %add3A = arith.addi %mul3A_0, %arg0 : i32
    "tpu.region"() ({
      %run_scoped3A = tpu.sem_alloc : memref<!tpu.dma_semaphore, #tpu.memory_space<semaphore_mem>>
      tpu.enqueue_dma source(%arg5 : memref<16xf32, #tpu.memory_space<hbm>>) target(%arg10 : memref<16xf32, #tpu.memory_space<vmem>>) target_semaphore(%run_scoped3A : memref<!tpu.dma_semaphore, #tpu.memory_space<semaphore_mem>>)
      tpu.wait_dma2 semaphore(%run_scoped3A : memref<!tpu.dma_semaphore, #tpu.memory_space<semaphore_mem>>) src(%arg5 : memref<16xf32, #tpu.memory_space<hbm>>) dst(%arg10 : memref<16xf32, #tpu.memory_space<vmem>>)
      tpu.yield
    }) : () -> ()
    "tpu.region"() ({
      %run_scoped3A = tpu.sem_alloc : memref<!tpu.dma_semaphore, #tpu.memory_space<semaphore_mem>>
      tpu.enqueue_dma source(%arg2 : memref<2048xf32, #tpu.memory_space<hbm>>) target(%arg7 : memref<2048xf32, #tpu.memory_space<vmem>>) target_semaphore(%run_scoped3A : memref<!tpu.dma_semaphore, #tpu.memory_space<semaphore_mem>>)
      tpu.wait_dma2 semaphore(%run_scoped3A : memref<!tpu.dma_semaphore, #tpu.memory_space<semaphore_mem>>) src(%arg2 : memref<2048xf32, #tpu.memory_space<hbm>>) dst(%arg7 : memref<2048xf32, #tpu.memory_space<vmem>>)
      tpu.yield
    }) : () -> ()
    %get3A = arith.constant 0 : index
    %get3A_1 = tpu.vector_load %arg10[%get3A] {strides = array<i32>} : memref<16xf32, #tpu.memory_space<vmem>>, vector<16xf32>,
    %slice3A = vector.extract_strided_slice %get3A_1 {offsets = [0], sizes = [1], strides = [1]} : vector<16xf32> to vector<1xf32>
    %squeeze3A = vector.extract %slice3A[0] : f32 from vector<1xf32>
    %slice3A_2 = vector.extract_strided_slice %get3A_1 {offsets = [1], sizes = [1], strides = [1]} : vector<16xf32> to vector<1xf32>
    %squeeze3A_3 = vector.extract %slice3A_2[0] : f32 from vector<1xf32>
    %slice3A_4 = vector.extract_strided_slice %get3A_1 {offsets = [2], sizes = [1], strides = [1]} : vector<16xf32> to vector<1xf32>
    %squeeze3A_5 = vector.extract %slice3A_4[0] : f32 from vector<1xf32>
    %slice3A_6 = vector.extract_strided_slice %get3A_1 {offsets = [3], sizes = [1], strides = [1]} : vector<16xf32> to vector<1xf32>
    %squeeze3A_7 = vector.extract %slice3A_6[0] : f32 from vector<1xf32>
    %slice3A_8 = vector.extract_strided_slice %get3A_1 {offsets = [4], sizes = [1], strides = [1]} : vector<16xf32> to vector<1xf32>
    %squeeze3A_9 = vector.extract %slice3A_8[0] : f32 from vector<1xf32>
    %slice3A_10 = vector.extract_strided_slice %get3A_1 {offsets = [5], sizes = [1], strides = [1]} : vector<16xf32> to vector<1xf32>
    %squeeze3A_11 = vector.extract %slice3A_10[0] : f32 from vector<1xf32>
    %slice3A_12 = vector.extract_strided_slice %get3A_1 {offsets = [6], sizes = [1], strides = [1]} : vector<16xf32> to vector<1xf32>
    %squeeze3A_13 = vector.extract %slice3A_12[0] : f32 from vector<1xf32>
    %slice3A_14 = vector.extract_strided_slice %get3A_1 {offsets = [7], sizes = [1], strides = [1]} : vector<16xf32> to vector<1xf32>
    %squeeze3A_15 = vector.extract %slice3A_14[0] : f32 from vector<1xf32>
    %slice3A_16 = vector.extract_strided_slice %get3A_1 {offsets = [8], sizes = [1], strides = [1]} : vector<16xf32> to vector<1xf32>
    %squeeze3A_17 = vector.extract %slice3A_16[0] : f32 from vector<1xf32>
    %slice3A_18 = vector.extract_strided_slice %get3A_1 {offsets = [9], sizes = [1], strides = [1]} : vector<16xf32> to vector<1xf32>
    %squeeze3A_19 = vector.extract %slice3A_18[0] : f32 from vector<1xf32>
    %convert_element_type3A = arith.sitofp %add3A : i32 to f32
    %mul3A_20 = arith.constant 6.400000e+01 : f32
    %mul3A_21 = arith.mulf %mul3A_20, %convert_element_type3A : f32
    %sub3A = arith.constant 5.000000e-01 : f32
    %sub3A_22 = arith.subf %mul3A_21, %sub3A : f32
    %mul3A_23 = arith.mulf %sub3A_22, %squeeze3A_9 : f32
    %add3A_24 = arith.addf %squeeze3A_3, %mul3A_23 : f32
    %mul3A_25 = arith.mulf %add3A_24, %squeeze3A_19 : f32
    %sub3A_26 = arith.subf %mul3A_25, %squeeze3A_13 : f32
    %mul3A_27 = arith.mulf %sub3A_26, %squeeze3A_15 : f32
    %max3A = arith.constant 0.000000e+00 : f32
    %max3A_28 = arith.maximumf %mul3A_27, %max3A : f32
    %convert_element_type3A_29 = arith.fptosi %max3A_28 : f32 to i32
    %sub3A_30 = arith.constant 14 : i32
    %sub3A_31 = arith.subi %convert_element_type3A_29, %sub3A_30 : i32
    %and3A = arith.constant -8 : i32
    %and3A_32 = arith.andi %sub3A_31, %and3A : i32
    %jit3A = arith.constant 0 : i32
    %jit3A_33 = arith.constant 16032 : i32
    %max3A_34 = arith.maxsi %jit3A, %and3A_32 : i32
    %min3A = arith.minsi %jit3A_33, %max3A_34 : i32
    %multiple_of3A = tpu.assume_multiple %min3A, 8 : i32
    "tpu.region"() ({
      %run_scoped3A = tpu.sem_alloc : memref<!tpu.dma_semaphore, #tpu.memory_space<semaphore_mem>>
      %dma_start3A = tpu.memref_slice %arg4[%multiple_of3A] : memref<16384xf32, #tpu.memory_space<hbm>> -> memref<352xf32, #tpu.memory_space<hbm>>
      %dma_start3A_211 = tpu.memref_slice %arg4[%multiple_of3A] : memref<16384xf32, #tpu.memory_space<hbm>> -> memref<352xf32, #tpu.memory_space<hbm>>
      tpu.enqueue_dma source(%dma_start3A_211 : memref<352xf32, #tpu.memory_space<hbm>>) target(%arg9 : memref<352xf32, #tpu.memory_space<vmem>>) target_semaphore(%run_scoped3A : memref<!tpu.dma_semaphore, #tpu.memory_space<semaphore_mem>>)
      %dma_wait3A = tpu.memref_slice %arg4[%multiple_of3A] : memref<16384xf32, #tpu.memory_space<hbm>> -> memref<352xf32, #tpu.memory_space<hbm>>
      %dma_wait3A_212 = tpu.memref_slice %arg4[%multiple_of3A] : memref<16384xf32, #tpu.memory_space<hbm>> -> memref<352xf32, #tpu.memory_space<hbm>>
      tpu.wait_dma2 semaphore(%run_scoped3A : memref<!tpu.dma_semaphore, #tpu.memory_space<semaphore_mem>>) src(%dma_wait3A_212 : memref<352xf32, #tpu.memory_space<hbm>>) dst(%arg9 : memref<352xf32, #tpu.memory_space<vmem>>)
      tpu.yield
    }) : () -> ()
    "tpu.region"() ({
      %run_scoped3A = tpu.sem_alloc : memref<!tpu.dma_semaphore, #tpu.memory_space<semaphore_mem>>
      %dma_start3A = tpu.memref_slice %arg3[%multiple_of3A] : memref<16384xf32, #tpu.memory_space<hbm>> -> memref<352xf32, #tpu.memory_space<hbm>>
      %dma_start3A_211 = tpu.memref_slice %arg3[%multiple_of3A] : memref<16384xf32, #tpu.memory_space<hbm>> -> memref<352xf32, #tpu.memory_space<hbm>>
      tpu.enqueue_dma source(%dma_start3A_211 : memref<352xf32, #tpu.memory_space<hbm>>) target(%arg8 : memref<352xf32, #tpu.memory_space<vmem>>) target_semaphore(%run_scoped3A : memref<!tpu.dma_semaphore, #tpu.memory_space<semaphore_mem>>)
      %dma_wait3A = tpu.memref_slice %arg3[%multiple_of3A] : memref<16384xf32, #tpu.memory_space<hbm>> -> memref<352xf32, #tpu.memory_space<hbm>>
      %dma_wait3A_212 = tpu.memref_slice %arg3[%multiple_of3A] : memref<16384xf32, #tpu.memory_space<hbm>> -> memref<352xf32, #tpu.memory_space<hbm>>
      tpu.wait_dma2 semaphore(%run_scoped3A : memref<!tpu.dma_semaphore, #tpu.memory_space<semaphore_mem>>) src(%dma_wait3A_212 : memref<352xf32, #tpu.memory_space<hbm>>) dst(%arg8 : memref<352xf32, #tpu.memory_space<vmem>>)
      tpu.yield
    }) : () -> ()
    %iota3A = tpu.iota {dimensions = array<i32: 0>} : vector<16xi32>
    %convert_element_type3A_35 = arith.sitofp %iota3A : vector<16xi32> to vector<16xf32>
    %broadcast_in_dim3A = vector.broadcast %squeeze3A_17 : f32 to vector<16xf32>
    %exp3A = math.exp %broadcast_in_dim3A : vector<16xf32>
    %sub3A_36 = arith.constant 1.000000e+01 : f32
    %sub3A_37 = vector.broadcast %sub3A_36 : f32 to vector<16xf32>
    %sub3A_38 = arith.subf %convert_element_type3A_35, %sub3A_37 : vector<16xf32>
    %div3A = arith.divf %sub3A_38, %exp3A : vector<16xf32>
    %add3A_39 = arith.constant 6.000000e+00 : f32
    %add3A_40 = vector.broadcast %add3A_39 : f32 to vector<16xf32>
    %add3A_41 = arith.addf %convert_element_type3A_35, %add3A_40 : vector<16xf32>
    %div3A_42 = arith.divf %add3A_41, %exp3A : vector<16xf32>
    %mul3A_43 = arith.constant -5.000000e-01 : f32
    %mul3A_44 = vector.broadcast %mul3A_43 : f32 to vector<16xf32>
    %mul3A_45 = arith.mulf %mul3A_44, %div3A : vector<16xf32>
    %mul3A_46 = arith.mulf %mul3A_45, %div3A : vector<16xf32>
    %exp3A_47 = math.exp %mul3A_46 : vector<16xf32>
    %lt3A = arith.constant 5.000000e+00 : f32
    %lt3A_48 = vector.broadcast %lt3A : f32 to vector<16xf32>
    %lt3A_49 = arith.cmpf olt, %convert_element_type3A_35, %lt3A_48 : vector<16xf32>
    %mul3A_50 = arith.constant -5.000000e-01 : f32
    %mul3A_51 = vector.broadcast %mul3A_50 : f32 to vector<16xf32>
    %mul3A_52 = arith.mulf %mul3A_51, %div3A_42 : vector<16xf32>
    %mul3A_53 = arith.mulf %mul3A_52, %div3A_42 : vector<16xf32>
    %exp3A_54 = math.exp %mul3A_53 : vector<16xf32>
    %jit3A_55 = arith.constant 0.000000e+00 : f32
    %broadcast_in_dim3A_56 = vector.broadcast %jit3A_55 : f32 to vector<16xf32>
    %select_n3A = arith.select %lt3A_49, %exp3A_54, %broadcast_in_dim3A_56 : vector<16xi1>, vector<16xf32>
    %slice3A_57 = vector.extract_strided_slice %exp3A_47 {offsets = [0], sizes = [1], strides = [1]} : vector<16xf32> to vector<1xf32>
    %squeeze3A_58 = vector.extract %slice3A_57[0] : f32 from vector<1xf32>
    %slice3A_59 = vector.extract_strided_slice %exp3A_47 {offsets = [1], sizes = [1], strides = [1]} : vector<16xf32> to vector<1xf32>
    %squeeze3A_60 = vector.extract %slice3A_59[0] : f32 from vector<1xf32>
    %slice3A_61 = vector.extract_strided_slice %exp3A_47 {offsets = [2], sizes = [1], strides = [1]} : vector<16xf32> to vector<1xf32>
    %squeeze3A_62 = vector.extract %slice3A_61[0] : f32 from vector<1xf32>
    %slice3A_63 = vector.extract_strided_slice %exp3A_47 {offsets = [3], sizes = [1], strides = [1]} : vector<16xf32> to vector<1xf32>
    %squeeze3A_64 = vector.extract %slice3A_63[0] : f32 from vector<1xf32>
    %slice3A_65 = vector.extract_strided_slice %exp3A_47 {offsets = [4], sizes = [1], strides = [1]} : vector<16xf32> to vector<1xf32>
    %squeeze3A_66 = vector.extract %slice3A_65[0] : f32 from vector<1xf32>
    %slice3A_67 = vector.extract_strided_slice %exp3A_47 {offsets = [5], sizes = [1], strides = [1]} : vector<16xf32> to vector<1xf32>
    %squeeze3A_68 = vector.extract %slice3A_67[0] : f32 from vector<1xf32>
    %slice3A_69 = vector.extract_strided_slice %exp3A_47 {offsets = [6], sizes = [1], strides = [1]} : vector<16xf32> to vector<1xf32>
    %squeeze3A_70 = vector.extract %slice3A_69[0] : f32 from vector<1xf32>
    %slice3A_71 = vector.extract_strided_slice %exp3A_47 {offsets = [7], sizes = [1], strides = [1]} : vector<16xf32> to vector<1xf32>
    %squeeze3A_72 = vector.extract %slice3A_71[0] : f32 from vector<1xf32>
    %slice3A_73 = vector.extract_strided_slice %exp3A_47 {offsets = [8], sizes = [1], strides = [1]} : vector<16xf32> to vector<1xf32>
    %squeeze3A_74 = vector.extract %slice3A_73[0] : f32 from vector<1xf32>
    %slice3A_75 = vector.extract_strided_slice %exp3A_47 {offsets = [9], sizes = [1], strides = [1]} : vector<16xf32> to vector<1xf32>
    %squeeze3A_76 = vector.extract %slice3A_75[0] : f32 from vector<1xf32>
    %slice3A_77 = vector.extract_strided_slice %exp3A_47 {offsets = [10], sizes = [1], strides = [1]} : vector<16xf32> to vector<1xf32>
    %squeeze3A_78 = vector.extract %slice3A_77[0] : f32 from vector<1xf32>
    %slice3A_79 = vector.extract_strided_slice %exp3A_47 {offsets = [11], sizes = [1], strides = [1]} : vector<16xf32> to vector<1xf32>
    %squeeze3A_80 = vector.extract %slice3A_79[0] : f32 from vector<1xf32>
    %slice3A_81 = vector.extract_strided_slice %exp3A_47 {offsets = [12], sizes = [1], strides = [1]} : vector<16xf32> to vector<1xf32>
    %squeeze3A_82 = vector.extract %slice3A_81[0] : f32 from vector<1xf32>
    %slice3A_83 = vector.extract_strided_slice %exp3A_47 {offsets = [13], sizes = [1], strides = [1]} : vector<16xf32> to vector<1xf32>
    %squeeze3A_84 = vector.extract %slice3A_83[0] : f32 from vector<1xf32>
    %slice3A_85 = vector.extract_strided_slice %exp3A_47 {offsets = [14], sizes = [1], strides = [1]} : vector<16xf32> to vector<1xf32>
    %squeeze3A_86 = vector.extract %slice3A_85[0] : f32 from vector<1xf32>
    %slice3A_87 = vector.extract_strided_slice %exp3A_47 {offsets = [15], sizes = [1], strides = [1]} : vector<16xf32> to vector<1xf32>
    %squeeze3A_88 = vector.extract %slice3A_87[0] : f32 from vector<1xf32>
    %slice3A_89 = vector.extract_strided_slice %select_n3A {offsets = [0], sizes = [1], strides = [1]} : vector<16xf32> to vector<1xf32>
    %squeeze3A_90 = vector.extract %slice3A_89[0] : f32 from vector<1xf32>
    %slice3A_91 = vector.extract_strided_slice %select_n3A {offsets = [1], sizes = [1], strides = [1]} : vector<16xf32> to vector<1xf32>
    %squeeze3A_92 = vector.extract %slice3A_91[0] : f32 from vector<1xf32>
    %slice3A_93 = vector.extract_strided_slice %select_n3A {offsets = [2], sizes = [1], strides = [1]} : vector<16xf32> to vector<1xf32>
    %squeeze3A_94 = vector.extract %slice3A_93[0] : f32 from vector<1xf32>
    %slice3A_95 = vector.extract_strided_slice %select_n3A {offsets = [3], sizes = [1], strides = [1]} : vector<16xf32> to vector<1xf32>
    %squeeze3A_96 = vector.extract %slice3A_95[0] : f32 from vector<1xf32>
    %slice3A_97 = vector.extract_strided_slice %select_n3A {offsets = [4], sizes = [1], strides = [1]} : vector<16xf32> to vector<1xf32>
    %squeeze3A_98 = vector.extract %slice3A_97[0] : f32 from vector<1xf32>
    %add3A_99 = arith.addf %squeeze3A_58, %squeeze3A_60 : f32
    %add3A_100 = arith.addf %add3A_99, %squeeze3A_62 : f32
    %add3A_101 = arith.addf %add3A_100, %squeeze3A_64 : f32
    %add3A_102 = arith.addf %add3A_101, %squeeze3A_66 : f32
    %add3A_103 = arith.addf %add3A_102, %squeeze3A_68 : f32
    %add3A_104 = arith.addf %add3A_103, %squeeze3A_70 : f32
    %add3A_105 = arith.addf %add3A_104, %squeeze3A_72 : f32
    %add3A_106 = arith.addf %add3A_105, %squeeze3A_74 : f32
    %add3A_107 = arith.addf %add3A_106, %squeeze3A_76 : f32
    %add3A_108 = arith.addf %add3A_107, %squeeze3A_78 : f32
    %add3A_109 = arith.addf %add3A_108, %squeeze3A_80 : f32
    %add3A_110 = arith.addf %add3A_109, %squeeze3A_82 : f32
    %add3A_111 = arith.addf %add3A_110, %squeeze3A_84 : f32
    %add3A_112 = arith.addf %add3A_111, %squeeze3A_86 : f32
    %add3A_113 = arith.addf %add3A_112, %squeeze3A_88 : f32
    %add3A_114 = arith.addf %add3A_113, %squeeze3A_90 : f32
    %add3A_115 = arith.addf %add3A_114, %squeeze3A_92 : f32
    %add3A_116 = arith.addf %add3A_115, %squeeze3A_94 : f32
    %add3A_117 = arith.addf %add3A_116, %squeeze3A_96 : f32
    %add3A_118 = arith.addf %add3A_117, %squeeze3A_98 : f32
    %broadcast_in_dim3A_119 = arith.constant 1.000000e+00 : f32
    %broadcast_in_dim3A_120 = vector.broadcast %broadcast_in_dim3A_119 : f32 to vector<16xf32>
    %broadcast_in_dim3A_121 = vector.broadcast %add3A_118 : f32 to vector<16xf32>
    %div3A_122 = arith.divf %broadcast_in_dim3A_120, %broadcast_in_dim3A_121 : vector<16xf32>
    %slice3A_123 = vector.extract_strided_slice %div3A_122 {offsets = [0], sizes = [1], strides = [1]} : vector<16xf32> to vector<1xf32>
    %squeeze3A_124 = vector.extract %slice3A_123[0] : f32 from vector<1xf32>
    %mul3A_125 = arith.mulf %squeeze3A_58, %squeeze3A_124 : f32
    %mul3A_126 = arith.mulf %squeeze3A_60, %squeeze3A_124 : f32
    %mul3A_127 = arith.mulf %squeeze3A_62, %squeeze3A_124 : f32
    %mul3A_128 = arith.mulf %squeeze3A_64, %squeeze3A_124 : f32
    %mul3A_129 = arith.mulf %squeeze3A_66, %squeeze3A_124 : f32
    %mul3A_130 = arith.mulf %squeeze3A_68, %squeeze3A_124 : f32
    %mul3A_131 = arith.mulf %squeeze3A_70, %squeeze3A_124 : f32
    %mul3A_132 = arith.mulf %squeeze3A_72, %squeeze3A_124 : f32
    %mul3A_133 = arith.mulf %squeeze3A_74, %squeeze3A_124 : f32
    %mul3A_134 = arith.mulf %squeeze3A_76, %squeeze3A_124 : f32
    %mul3A_135 = arith.mulf %squeeze3A_78, %squeeze3A_124 : f32
    %mul3A_136 = arith.mulf %squeeze3A_80, %squeeze3A_124 : f32
    %mul3A_137 = arith.mulf %squeeze3A_82, %squeeze3A_124 : f32
    %mul3A_138 = arith.mulf %squeeze3A_84, %squeeze3A_124 : f32
    %mul3A_139 = arith.mulf %squeeze3A_86, %squeeze3A_124 : f32
    %mul3A_140 = arith.mulf %squeeze3A_88, %squeeze3A_124 : f32
    %mul3A_141 = arith.mulf %squeeze3A_90, %squeeze3A_124 : f32
    %mul3A_142 = arith.mulf %squeeze3A_92, %squeeze3A_124 : f32
    %mul3A_143 = arith.mulf %squeeze3A_94, %squeeze3A_124 : f32
    %mul3A_144 = arith.mulf %squeeze3A_96, %squeeze3A_124 : f32
    %mul3A_145 = arith.mulf %squeeze3A_98, %squeeze3A_124 : f32
    %broadcast_in_dim3A_146 = arith.constant 0.000000e+00 : f32
    %broadcast_in_dim3A_147 = vector.broadcast %broadcast_in_dim3A_146 : f32 to vector<16xf32>
    %swap3A = arith.constant 0 : index
    %swap3A_148 = tpu.vector_load %arg11[%swap3A] {strides = array<i32>} : memref<64xf32, #tpu.memory_space<vmem>>, vector<16xf32>,
    tpu.vector_store %arg11[%swap3A], %broadcast_in_dim3A_147 {strides = array<i32>} : memref<64xf32, #tpu.memory_space<vmem>>, vector<16xf32>,
    %swap3A_149 = arith.constant 0 : index
    %swap3A_150 = tpu.vector_load %arg12[%swap3A_149] {strides = array<i32>} : memref<64xf32, #tpu.memory_space<vmem>>, vector<16xf32>,
    tpu.vector_store %arg12[%swap3A_149], %broadcast_in_dim3A_147 {strides = array<i32>} : memref<64xf32, #tpu.memory_space<vmem>>, vector<16xf32>,
    %swap3A_151 = arith.constant 16 : index
    %swap3A_152 = tpu.vector_load %arg11[%swap3A_151] {strides = array<i32>} : memref<64xf32, #tpu.memory_space<vmem>>, vector<16xf32>,
    tpu.vector_store %arg11[%swap3A_151], %broadcast_in_dim3A_147 {strides = array<i32>} : memref<64xf32, #tpu.memory_space<vmem>>, vector<16xf32>,
    %swap3A_153 = arith.constant 16 : index
    %swap3A_154 = tpu.vector_load %arg12[%swap3A_153] {strides = array<i32>} : memref<64xf32, #tpu.memory_space<vmem>>, vector<16xf32>,
    tpu.vector_store %arg12[%swap3A_153], %broadcast_in_dim3A_147 {strides = array<i32>} : memref<64xf32, #tpu.memory_space<vmem>>, vector<16xf32>,
    %swap3A_155 = arith.constant 32 : index
    %swap3A_156 = tpu.vector_load %arg11[%swap3A_155] {strides = array<i32>} : memref<64xf32, #tpu.memory_space<vmem>>, vector<16xf32>,
    tpu.vector_store %arg11[%swap3A_155], %broadcast_in_dim3A_147 {strides = array<i32>} : memref<64xf32, #tpu.memory_space<vmem>>, vector<16xf32>,
    %swap3A_157 = arith.constant 32 : index
    %swap3A_158 = tpu.vector_load %arg12[%swap3A_157] {strides = array<i32>} : memref<64xf32, #tpu.memory_space<vmem>>, vector<16xf32>,
    tpu.vector_store %arg12[%swap3A_157], %broadcast_in_dim3A_147 {strides = array<i32>} : memref<64xf32, #tpu.memory_space<vmem>>, vector<16xf32>,
    %swap3A_159 = arith.constant 48 : index
    %swap3A_160 = tpu.vector_load %arg11[%swap3A_159] {strides = array<i32>} : memref<64xf32, #tpu.memory_space<vmem>>, vector<16xf32>,
    tpu.vector_store %arg11[%swap3A_159], %broadcast_in_dim3A_147 {strides = array<i32>} : memref<64xf32, #tpu.memory_space<vmem>>, vector<16xf32>,
    %swap3A_161 = arith.constant 48 : index
    %swap3A_162 = tpu.vector_load %arg12[%swap3A_161] {strides = array<i32>} : memref<64xf32, #tpu.memory_space<vmem>>, vector<16xf32>,
    tpu.vector_store %arg12[%swap3A_161], %broadcast_in_dim3A_147 {strides = array<i32>} : memref<64xf32, #tpu.memory_space<vmem>>, vector<16xf32>,
    %broadcast_in_dim3A_163 = arith.constant 1.000000e+00 : f32
    %broadcast_in_dim3A_164 = vector.broadcast %broadcast_in_dim3A_163 : f32 to vector<16xf32>
    %mul3A_165 = arith.constant 64 : i32
    %mul3A_166 = arith.muli %add3A, %mul3A_165 : i32
    %scan3A = arith.constant 0 : i32
    %scan3A_167 = arith.constant 0 : i32
    %scan3A_168 = arith.constant 20 : i32
    %scan3A_169 = arith.addi %scan3A_167, %scan3A_168 : i32
    %scan3A_170 = arith.constant 1 : i32
    scf.for %scan3A_211 = %scan3A_167 to %scan3A_169 step %scan3A_170  : i32 {
      %mul3A_212 = arith.constant 16 : i32
      %mul3A_213 = arith.muli %scan3A_211, %mul3A_212 : i32
      %get3A_214 = arith.index_cast %mul3A_213 : i32 to index
      %get3A_215 = tpu.vector_load %arg9[%get3A_214] {strides = array<i32>} : memref<352xf32, #tpu.memory_space<vmem>>, vector<16xf32>,
      %mul3A_216 = vector.broadcast %mul3A_125 : f32 to vector<16xf32>
      %mul3A_217 = arith.mulf %mul3A_216, %get3A_215 : vector<16xf32>
      %add3A_218 = arith.constant 1 : i32
      %add3A_219 = arith.addi %mul3A_213, %add3A_218 : i32
      %get3A_220 = arith.index_cast %add3A_219 : i32 to index
      %get3A_221 = tpu.vector_load %arg9[%get3A_220] {strides = array<i32>} : memref<352xf32, #tpu.memory_space<vmem>>, vector<16xf32>,
      %mul3A_222 = vector.broadcast %mul3A_126 : f32 to vector<16xf32>
      %mul3A_223 = arith.mulf %mul3A_222, %get3A_221 : vector<16xf32>
      %add3A_224 = arith.addf %mul3A_217, %mul3A_223 : vector<16xf32>
      %add3A_225 = arith.constant 2 : i32
      %add3A_226 = arith.addi %mul3A_213, %add3A_225 : i32
      %get3A_227 = arith.index_cast %add3A_226 : i32 to index
      %get3A_228 = tpu.vector_load %arg9[%get3A_227] {strides = array<i32>} : memref<352xf32, #tpu.memory_space<vmem>>, vector<16xf32>,
      %mul3A_229 = vector.broadcast %mul3A_127 : f32 to vector<16xf32>
      %mul3A_230 = arith.mulf %mul3A_229, %get3A_228 : vector<16xf32>
      %add3A_231 = arith.addf %add3A_224, %mul3A_230 : vector<16xf32>
      %add3A_232 = arith.constant 3 : i32
      %add3A_233 = arith.addi %mul3A_213, %add3A_232 : i32
      %get3A_234 = arith.index_cast %add3A_233 : i32 to index
      %get3A_235 = tpu.vector_load %arg9[%get3A_234] {strides = array<i32>} : memref<352xf32, #tpu.memory_space<vmem>>, vector<16xf32>,
      %mul3A_236 = vector.broadcast %mul3A_128 : f32 to vector<16xf32>
      %mul3A_237 = arith.mulf %mul3A_236, %get3A_235 : vector<16xf32>
      %add3A_238 = arith.addf %add3A_231, %mul3A_237 : vector<16xf32>
      %add3A_239 = arith.constant 4 : i32
      %add3A_240 = arith.addi %mul3A_213, %add3A_239 : i32
      %get3A_241 = arith.index_cast %add3A_240 : i32 to index
      %get3A_242 = tpu.vector_load %arg9[%get3A_241] {strides = array<i32>} : memref<352xf32, #tpu.memory_space<vmem>>, vector<16xf32>,
      %mul3A_243 = vector.broadcast %mul3A_129 : f32 to vector<16xf32>
      %mul3A_244 = arith.mulf %mul3A_243, %get3A_242 : vector<16xf32>
      %add3A_245 = arith.addf %add3A_238, %mul3A_244 : vector<16xf32>
      %add3A_246 = arith.constant 5 : i32
      %add3A_247 = arith.addi %mul3A_213, %add3A_246 : i32
      %get3A_248 = arith.index_cast %add3A_247 : i32 to index
      %get3A_249 = tpu.vector_load %arg9[%get3A_248] {strides = array<i32>} : memref<352xf32, #tpu.memory_space<vmem>>, vector<16xf32>,
      %mul3A_250 = vector.broadcast %mul3A_130 : f32 to vector<16xf32>
      %mul3A_251 = arith.mulf %mul3A_250, %get3A_249 : vector<16xf32>
      %add3A_252 = arith.addf %add3A_245, %mul3A_251 : vector<16xf32>
      %add3A_253 = arith.constant 6 : i32
      %add3A_254 = arith.addi %mul3A_213, %add3A_253 : i32
      %get3A_255 = arith.index_cast %add3A_254 : i32 to index
      %get3A_256 = tpu.vector_load %arg9[%get3A_255] {strides = array<i32>} : memref<352xf32, #tpu.memory_space<vmem>>, vector<16xf32>,
      %mul3A_257 = vector.broadcast %mul3A_131 : f32 to vector<16xf32>
      %mul3A_258 = arith.mulf %mul3A_257, %get3A_256 : vector<16xf32>
      %add3A_259 = arith.addf %add3A_252, %mul3A_258 : vector<16xf32>
      %add3A_260 = arith.constant 7 : i32
      %add3A_261 = arith.addi %mul3A_213, %add3A_260 : i32
      %get3A_262 = arith.index_cast %add3A_261 : i32 to index
      %get3A_263 = tpu.vector_load %arg9[%get3A_262] {strides = array<i32>} : memref<352xf32, #tpu.memory_space<vmem>>, vector<16xf32>,
      %mul3A_264 = vector.broadcast %mul3A_132 : f32 to vector<16xf32>
      %mul3A_265 = arith.mulf %mul3A_264, %get3A_263 : vector<16xf32>
      %add3A_266 = arith.addf %add3A_259, %mul3A_265 : vector<16xf32>
      %add3A_267 = arith.constant 8 : i32
      %add3A_268 = arith.addi %mul3A_213, %add3A_267 : i32
      %get3A_269 = arith.index_cast %add3A_268 : i32 to index
      %get3A_270 = tpu.vector_load %arg9[%get3A_269] {strides = array<i32>} : memref<352xf32, #tpu.memory_space<vmem>>, vector<16xf32>,
      %mul3A_271 = vector.broadcast %mul3A_133 : f32 to vector<16xf32>
      %mul3A_272 = arith.mulf %mul3A_271, %get3A_270 : vector<16xf32>
      %add3A_273 = arith.addf %add3A_266, %mul3A_272 : vector<16xf32>
      %add3A_274 = arith.constant 9 : i32
      %add3A_275 = arith.addi %mul3A_213, %add3A_274 : i32
      %get3A_276 = arith.index_cast %add3A_275 : i32 to index
      %get3A_277 = tpu.vector_load %arg9[%get3A_276] {strides = array<i32>} : memref<352xf32, #tpu.memory_space<vmem>>, vector<16xf32>,
      %mul3A_278 = vector.broadcast %mul3A_134 : f32 to vector<16xf32>
      %mul3A_279 = arith.mulf %mul3A_278, %get3A_277 : vector<16xf32>
      %add3A_280 = arith.addf %add3A_273, %mul3A_279 : vector<16xf32>
      %add3A_281 = arith.constant 10 : i32
      %add3A_282 = arith.addi %mul3A_213, %add3A_281 : i32
      %get3A_283 = arith.index_cast %add3A_282 : i32 to index
      %get3A_284 = tpu.vector_load %arg9[%get3A_283] {strides = array<i32>} : memref<352xf32, #tpu.memory_space<vmem>>, vector<16xf32>,
      %mul3A_285 = vector.broadcast %mul3A_135 : f32 to vector<16xf32>
      %mul3A_286 = arith.mulf %mul3A_285, %get3A_284 : vector<16xf32>
      %add3A_287 = arith.addf %add3A_280, %mul3A_286 : vector<16xf32>
      %add3A_288 = arith.constant 11 : i32
      %add3A_289 = arith.addi %mul3A_213, %add3A_288 : i32
      %get3A_290 = arith.index_cast %add3A_289 : i32 to index
      %get3A_291 = tpu.vector_load %arg9[%get3A_290] {strides = array<i32>} : memref<352xf32, #tpu.memory_space<vmem>>, vector<16xf32>,
      %mul3A_292 = vector.broadcast %mul3A_136 : f32 to vector<16xf32>
      %mul3A_293 = arith.mulf %mul3A_292, %get3A_291 : vector<16xf32>
      %add3A_294 = arith.addf %add3A_287, %mul3A_293 : vector<16xf32>
      %add3A_295 = arith.constant 12 : i32
      %add3A_296 = arith.addi %mul3A_213, %add3A_295 : i32
      %get3A_297 = arith.index_cast %add3A_296 : i32 to index
      %get3A_298 = tpu.vector_load %arg9[%get3A_297] {strides = array<i32>} : memref<352xf32, #tpu.memory_space<vmem>>, vector<16xf32>,
      %mul3A_299 = vector.broadcast %mul3A_137 : f32 to vector<16xf32>
      %mul3A_300 = arith.mulf %mul3A_299, %get3A_298 : vector<16xf32>
      %add3A_301 = arith.addf %add3A_294, %mul3A_300 : vector<16xf32>
      %add3A_302 = arith.constant 13 : i32
      %add3A_303 = arith.addi %mul3A_213, %add3A_302 : i32
      %get3A_304 = arith.index_cast %add3A_303 : i32 to index
      %get3A_305 = tpu.vector_load %arg9[%get3A_304] {strides = array<i32>} : memref<352xf32, #tpu.memory_space<vmem>>, vector<16xf32>,
      %mul3A_306 = vector.broadcast %mul3A_138 : f32 to vector<16xf32>
      %mul3A_307 = arith.mulf %mul3A_306, %get3A_305 : vector<16xf32>
      %add3A_308 = arith.addf %add3A_301, %mul3A_307 : vector<16xf32>
      %add3A_309 = arith.constant 14 : i32
      %add3A_310 = arith.addi %mul3A_213, %add3A_309 : i32
      %get3A_311 = arith.index_cast %add3A_310 : i32 to index
      %get3A_312 = tpu.vector_load %arg9[%get3A_311] {strides = array<i32>} : memref<352xf32, #tpu.memory_space<vmem>>, vector<16xf32>,
      %mul3A_313 = vector.broadcast %mul3A_139 : f32 to vector<16xf32>
      %mul3A_314 = arith.mulf %mul3A_313, %get3A_312 : vector<16xf32>
      %add3A_315 = arith.addf %add3A_308, %mul3A_314 : vector<16xf32>
      %add3A_316 = arith.constant 15 : i32
      %add3A_317 = arith.addi %mul3A_213, %add3A_316 : i32
      %get3A_318 = arith.index_cast %add3A_317 : i32 to index
      %get3A_319 = tpu.vector_load %arg9[%get3A_318] {strides = array<i32>} : memref<352xf32, #tpu.memory_space<vmem>>, vector<16xf32>,
      %mul3A_320 = vector.broadcast %mul3A_140 : f32 to vector<16xf32>
      %mul3A_321 = arith.mulf %mul3A_320, %get3A_319 : vector<16xf32>
      %add3A_322 = arith.addf %add3A_315, %mul3A_321 : vector<16xf32>
      %add3A_323 = arith.constant 16 : i32
      %add3A_324 = arith.addi %mul3A_213, %add3A_323 : i32
      %get3A_325 = arith.index_cast %add3A_324 : i32 to index
      %get3A_326 = tpu.vector_load %arg9[%get3A_325] {strides = array<i32>} : memref<352xf32, #tpu.memory_space<vmem>>, vector<16xf32>,
      %mul3A_327 = vector.broadcast %mul3A_141 : f32 to vector<16xf32>
      %mul3A_328 = arith.mulf %mul3A_327, %get3A_326 : vector<16xf32>
      %add3A_329 = arith.addf %add3A_322, %mul3A_328 : vector<16xf32>
      %add3A_330 = arith.constant 17 : i32
      %add3A_331 = arith.addi %mul3A_213, %add3A_330 : i32
      %get3A_332 = arith.index_cast %add3A_331 : i32 to index
      %get3A_333 = tpu.vector_load %arg9[%get3A_332] {strides = array<i32>} : memref<352xf32, #tpu.memory_space<vmem>>, vector<16xf32>,
      %mul3A_334 = vector.broadcast %mul3A_142 : f32 to vector<16xf32>
      %mul3A_335 = arith.mulf %mul3A_334, %get3A_333 : vector<16xf32>
      %add3A_336 = arith.addf %add3A_329, %mul3A_335 : vector<16xf32>
      %add3A_337 = arith.constant 18 : i32
      %add3A_338 = arith.addi %mul3A_213, %add3A_337 : i32
      %get3A_339 = arith.index_cast %add3A_338 : i32 to index
      %get3A_340 = tpu.vector_load %arg9[%get3A_339] {strides = array<i32>} : memref<352xf32, #tpu.memory_space<vmem>>, vector<16xf32>,
      %mul3A_341 = vector.broadcast %mul3A_143 : f32 to vector<16xf32>
      %mul3A_342 = arith.mulf %mul3A_341, %get3A_340 : vector<16xf32>
      %add3A_343 = arith.addf %add3A_336, %mul3A_342 : vector<16xf32>
      %add3A_344 = arith.constant 19 : i32
      %add3A_345 = arith.addi %mul3A_213, %add3A_344 : i32
      %get3A_346 = arith.index_cast %add3A_345 : i32 to index
      %get3A_347 = tpu.vector_load %arg9[%get3A_346] {strides = array<i32>} : memref<352xf32, #tpu.memory_space<vmem>>, vector<16xf32>,
      %mul3A_348 = vector.broadcast %mul3A_144 : f32 to vector<16xf32>
      %mul3A_349 = arith.mulf %mul3A_348, %get3A_347 : vector<16xf32>
      %add3A_350 = arith.addf %add3A_343, %mul3A_349 : vector<16xf32>
      %add3A_351 = arith.constant 20 : i32
      %add3A_352 = arith.addi %mul3A_213, %add3A_351 : i32
      %get3A_353 = arith.index_cast %add3A_352 : i32 to index
      %get3A_354 = tpu.vector_load %arg9[%get3A_353] {strides = array<i32>} : memref<352xf32, #tpu.memory_space<vmem>>, vector<16xf32>,
      %mul3A_355 = vector.broadcast %mul3A_145 : f32 to vector<16xf32>
      %mul3A_356 = arith.mulf %mul3A_355, %get3A_354 : vector<16xf32>
      %add3A_357 = arith.addf %add3A_350, %mul3A_356 : vector<16xf32>
      %add3A_358 = arith.constant 10 : i32
      %add3A_359 = arith.addi %mul3A_213, %add3A_358 : i32
      %get3A_360 = arith.index_cast %add3A_359 : i32 to index
      %get3A_361 = tpu.vector_load %arg8[%get3A_360] {strides = array<i32>} : memref<352xf32, #tpu.memory_space<vmem>>, vector<16xf32>,
      %mul3A_362 = vector.broadcast %squeeze3A : f32 to vector<16xf32>
      %mul3A_363 = arith.mulf %get3A_361, %mul3A_362 : vector<16xf32>
      %sub3A_364 = vector.broadcast %squeeze3A_3 : f32 to vector<16xf32>
      %sub3A_365 = arith.subf %mul3A_363, %sub3A_364 : vector<16xf32>
      %mul3A_366 = vector.broadcast %squeeze3A_7 : f32 to vector<16xf32>
      %mul3A_367 = arith.mulf %sub3A_365, %mul3A_366 : vector<16xf32>
      %add3A_368 = arith.constant 5.000000e-01 : f32
      %add3A_369 = vector.broadcast %add3A_368 : f32 to vector<16xf32>
      %add3A_370 = arith.addf %mul3A_367, %add3A_369 : vector<16xf32>
      %jit3A_371 = arith.constant 0.000000e+00 : f32
      %jit3A_372 = arith.constant 2.047000e+03 : f32
      %max3A_373 = vector.broadcast %jit3A_371 : f32 to vector<16xf32>
      %max3A_374 = arith.maximumf %max3A_373, %add3A_370 : vector<16xf32>
      %min3A_375 = vector.broadcast %jit3A_372 : f32 to vector<16xf32>
      %min3A_376 = arith.minimumf %min3A_375, %max3A_374 : vector<16xf32>
      %convert_element_type3A_377 = arith.fptosi %min3A_376 : vector<16xf32> to vector<16xi32>
      %sub3A_378 = arith.constant 1 : i32
      %sub3A_379 = vector.broadcast %sub3A_378 : i32 to vector<16xi32>
      %sub3A_380 = arith.subi %convert_element_type3A_377, %sub3A_379 : vector<16xi32>
      %max3A_381 = arith.constant 0 : i32
      %max3A_382 = vector.broadcast %max3A_381 : i32 to vector<16xi32>
      %max3A_383 = arith.maxsi %sub3A_380, %max3A_382 : vector<16xi32>
      %add3A_384 = arith.constant 1 : i32
      %add3A_385 = vector.broadcast %add3A_384 : i32 to vector<16xi32>
      %add3A_386 = arith.addi %convert_element_type3A_377, %add3A_385 : vector<16xi32>
      %min3A_387 = arith.constant 2047 : i32
      %min3A_388 = vector.broadcast %min3A_387 : i32 to vector<16xi32>
      %min3A_389 = arith.minsi %add3A_386, %min3A_388 : vector<16xi32>
      %gather3A = tpu.vector_load_idx %arg7[%max3A_383] : memref<2048xf32, #tpu.memory_space<vmem>>[vector<16xi32>], vector<16xf32>,
      %gather3A_390 = tpu.vector_load_idx %arg7[%convert_element_type3A_377] : memref<2048xf32, #tpu.memory_space<vmem>>[vector<16xi32>], vector<16xf32>,
      %gather3A_391 = tpu.vector_load_idx %arg7[%min3A_389] : memref<2048xf32, #tpu.memory_space<vmem>>[vector<16xi32>], vector<16xf32>,
      %sub3A_392 = arith.subf %gather3A, %mul3A_363 : vector<16xf32>
      %sub3A_393 = arith.subf %gather3A, %mul3A_363 : vector<16xf32>
      %mul3A_394 = arith.mulf %sub3A_392, %sub3A_393 : vector<16xf32>
      %sub3A_395 = arith.subf %gather3A_390, %mul3A_363 : vector<16xf32>
      %sub3A_396 = arith.subf %gather3A_390, %mul3A_363 : vector<16xf32>
      %mul3A_397 = arith.mulf %sub3A_395, %sub3A_396 : vector<16xf32>
      %sub3A_398 = arith.subf %gather3A_391, %mul3A_363 : vector<16xf32>
      %sub3A_399 = arith.subf %gather3A_391, %mul3A_363 : vector<16xf32>
      %mul3A_400 = arith.mulf %sub3A_398, %sub3A_399 : vector<16xf32>
      %lt3A_401 = arith.cmpf olt, %mul3A_397, %mul3A_394 : vector<16xf32>
      %select_n3A_402 = arith.select %lt3A_401, %convert_element_type3A_377, %max3A_383 : vector<16xi1>, vector<16xi32>
      %select_n3A_403 = arith.select %lt3A_401, %mul3A_397, %mul3A_394 : vector<16xi1>, vector<16xf32>
      %lt3A_404 = arith.cmpf olt, %mul3A_400, %select_n3A_403 : vector<16xf32>
      %select_n3A_405 = arith.select %lt3A_404, %min3A_389, %select_n3A_402 : vector<16xi1>, vector<16xi32>
      %gt3A = vector.broadcast %squeeze3A_3 : f32 to vector<16xf32>
      %gt3A_406 = arith.cmpf ogt, %mul3A_363, %gt3A : vector<16xf32>
      %lt3A_407 = vector.broadcast %squeeze3A_5 : f32 to vector<16xf32>
      %lt3A_408 = arith.cmpf olt, %mul3A_363, %lt3A_407 : vector<16xf32>
      %and3A_409 = arith.andi %gt3A_406, %lt3A_408 : vector<16xi1>
      %ge3A = vector.broadcast %mul3A_166 : i32 to vector<16xi32>
      %ge3A_410 = arith.cmpi sge, %select_n3A_405, %ge3A : vector<16xi32>
      %and3A_411 = arith.andi %and3A_409, %ge3A_410 : vector<16xi1>
      %add3A_412 = arith.constant 64 : i32
      %add3A_413 = arith.addi %mul3A_166, %add3A_412 : i32
      %lt3A_414 = vector.broadcast %add3A_413 : i32 to vector<16xi32>
      %lt3A_415 = arith.cmpi slt, %select_n3A_405, %lt3A_414 : vector<16xi32>
      %and3A_416 = arith.andi %and3A_411, %lt3A_415 : vector<16xi1>
      %sub3A_417 = vector.broadcast %mul3A_166 : i32 to vector<16xi32>
      %sub3A_418 = arith.subi %select_n3A_405, %sub3A_417 : vector<16xi32>
      %jit3A_419 = arith.constant 0 : i32
      %jit3A_420 = arith.constant 63 : i32
      %max3A_421 = vector.broadcast %jit3A_419 : i32 to vector<16xi32>
      %max3A_422 = arith.maxsi %max3A_421, %sub3A_418 : vector<16xi32>
      %min3A_423 = vector.broadcast %jit3A_420 : i32 to vector<16xi32>
      %min3A_424 = arith.minsi %min3A_423, %max3A_422 : vector<16xi32>
      tpu.vector_store_idx %arg11[%min3A_424], %add3A_357 masked %and3A_416 {add = true} : memref<64xf32, #tpu.memory_space<vmem>>[vector<16xi32>], vector<16xf32>, vector<16xi1>
      tpu.vector_store_idx %arg12[%min3A_424], %broadcast_in_dim3A_164 masked %and3A_416 {add = true} : memref<64xf32, #tpu.memory_space<vmem>>[vector<16xi32>], vector<16xf32>, vector<16xi1>
    }
    %scan3A_171 = arith.constant 20 : i32
    %get3A_172 = arith.constant 0 : index
    %get3A_173 = tpu.vector_load %arg11[%get3A_172] {strides = array<i32>} : memref<64xf32, #tpu.memory_space<vmem>>, vector<16xf32>,
    %get3A_174 = arith.constant 0 : index
    %get3A_175 = tpu.vector_load %arg12[%get3A_174] {strides = array<i32>} : memref<64xf32, #tpu.memory_space<vmem>>, vector<16xf32>,
    %div3A_176 = arith.divf %get3A_173, %get3A_175 : vector<16xf32>
    %mul3A_177 = vector.broadcast %squeeze3A_11 : f32 to vector<16xf32>
    %mul3A_178 = arith.mulf %div3A_176, %mul3A_177 : vector<16xf32>
    %swap3A_179 = arith.constant 0 : index
    %swap3A_180 = tpu.vector_load %arg13[%swap3A_179] {strides = array<i32>} : memref<64xf32, #tpu.memory_space<vmem>>, vector<16xf32>,
    tpu.vector_store %arg13[%swap3A_179], %mul3A_178 {strides = array<i32>} : memref<64xf32, #tpu.memory_space<vmem>>, vector<16xf32>,
    %get3A_181 = arith.constant 16 : index
    %get3A_182 = tpu.vector_load %arg11[%get3A_181] {strides = array<i32>} : memref<64xf32, #tpu.memory_space<vmem>>, vector<16xf32>,
    %get3A_183 = arith.constant 16 : index
    %get3A_184 = tpu.vector_load %arg12[%get3A_183] {strides = array<i32>} : memref<64xf32, #tpu.memory_space<vmem>>, vector<16xf32>,
    %div3A_185 = arith.divf %get3A_182, %get3A_184 : vector<16xf32>
    %mul3A_186 = vector.broadcast %squeeze3A_11 : f32 to vector<16xf32>
    %mul3A_187 = arith.mulf %div3A_185, %mul3A_186 : vector<16xf32>
    %swap3A_188 = arith.constant 16 : index
    %swap3A_189 = tpu.vector_load %arg13[%swap3A_188] {strides = array<i32>} : memref<64xf32, #tpu.memory_space<vmem>>, vector<16xf32>,
    tpu.vector_store %arg13[%swap3A_188], %mul3A_187 {strides = array<i32>} : memref<64xf32, #tpu.memory_space<vmem>>, vector<16xf32>,
    %get3A_190 = arith.constant 32 : index
    %get3A_191 = tpu.vector_load %arg11[%get3A_190] {strides = array<i32>} : memref<64xf32, #tpu.memory_space<vmem>>, vector<16xf32>,
    %get3A_192 = arith.constant 32 : index
    %get3A_193 = tpu.vector_load %arg12[%get3A_192] {strides = array<i32>} : memref<64xf32, #tpu.memory_space<vmem>>, vector<16xf32>,
    %div3A_194 = arith.divf %get3A_191, %get3A_193 : vector<16xf32>
    %mul3A_195 = vector.broadcast %squeeze3A_11 : f32 to vector<16xf32>
    %mul3A_196 = arith.mulf %div3A_194, %mul3A_195 : vector<16xf32>
    %swap3A_197 = arith.constant 32 : index
    %swap3A_198 = tpu.vector_load %arg13[%swap3A_197] {strides = array<i32>} : memref<64xf32, #tpu.memory_space<vmem>>, vector<16xf32>,
    tpu.vector_store %arg13[%swap3A_197], %mul3A_196 {strides = array<i32>} : memref<64xf32, #tpu.memory_space<vmem>>, vector<16xf32>,
    %get3A_199 = arith.constant 48 : index
    %get3A_200 = tpu.vector_load %arg11[%get3A_199] {strides = array<i32>} : memref<64xf32, #tpu.memory_space<vmem>>, vector<16xf32>,
    %get3A_201 = arith.constant 48 : index
    %get3A_202 = tpu.vector_load %arg12[%get3A_201] {strides = array<i32>} : memref<64xf32, #tpu.memory_space<vmem>>, vector<16xf32>,
    %div3A_203 = arith.divf %get3A_200, %get3A_202 : vector<16xf32>
    %mul3A_204 = vector.broadcast %squeeze3A_11 : f32 to vector<16xf32>
    %mul3A_205 = arith.mulf %div3A_203, %mul3A_204 : vector<16xf32>
    %swap3A_206 = arith.constant 48 : index
    %swap3A_207 = tpu.vector_load %arg13[%swap3A_206] {strides = array<i32>} : memref<64xf32, #tpu.memory_space<vmem>>, vector<16xf32>,
    tpu.vector_store %arg13[%swap3A_206], %mul3A_205 {strides = array<i32>} : memref<64xf32, #tpu.memory_space<vmem>>, vector<16xf32>,
    %mul3A_208 = arith.constant 64 : i32
    %mul3A_209 = arith.muli %add3A, %mul3A_208 : i32
    %multiple_of3A_210 = tpu.assume_multiple %mul3A_209, 8 : i32
    "tpu.region"() ({
      %run_scoped3A = tpu.sem_alloc : memref<!tpu.dma_semaphore, #tpu.memory_space<semaphore_mem>>
      %dma_start3A = tpu.memref_slice %arg6[%multiple_of3A_210] : memref<2048xf32, #tpu.memory_space<hbm>> -> memref<64xf32, #tpu.memory_space<hbm>>
      %dma_start3A_211 = tpu.memref_slice %arg6[%multiple_of3A_210] : memref<2048xf32, #tpu.memory_space<hbm>> -> memref<64xf32, #tpu.memory_space<hbm>>
      tpu.enqueue_dma source(%arg13 : memref<64xf32, #tpu.memory_space<vmem>>) target(%dma_start3A_211 : memref<64xf32, #tpu.memory_space<hbm>>) target_semaphore(%run_scoped3A : memref<!tpu.dma_semaphore, #tpu.memory_space<semaphore_mem>>)
      %dma_wait3A = tpu.memref_slice %arg6[%multiple_of3A_210] : memref<2048xf32, #tpu.memory_space<hbm>> -> memref<64xf32, #tpu.memory_space<hbm>>
      %dma_wait3A_212 = tpu.memref_slice %arg6[%multiple_of3A_210] : memref<2048xf32, #tpu.memory_space<hbm>> -> memref<64xf32, #tpu.memory_space<hbm>>
      tpu.wait_dma2 semaphore(%run_scoped3A : memref<!tpu.dma_semaphore, #tpu.memory_space<semaphore_mem>>) src(%arg13 : memref<64xf32, #tpu.memory_space<vmem>>) dst(%dma_wait3A_212 : memref<64xf32, #tpu.memory_space<hbm>>)
      tpu.yield
    }) : () -> ()
    return
  }
}

</mosaic_0001>

<sc_bundles>
// kernel: _run.3.cloned.1.call-start
scs
__scs_entry_jumppad:
0x0: {  	(pc) =	sbr.rel $0x88, $3  }
0x1: {  	(tag) =	ssettag $0x0;
	lr =	simm.s32 $0x1  }
0x2: {  	[smem:$0x3F9D] =	sst lr;
	_ =	strace $0xD0000000  }
0x3: {  	_ = 	snop  }
0x4: {  	_ = 	snop  }
0x5: {  	_ = 	snop  }
0x6: {  	_ = 	snop  }
0x7: {  	_ = 	snop  }
__scs_overlays_trampoline_lowered:
0x8: {  	[smem:$0x3FAC] =	sst s0  }
0x9: {  	[smem:$0x3FAD] =	sst s1  }
0xa: {  	[smem:$0x3FAE] =	sst s2  }
0xb: {  	[smem:$0x3FAF] =	sst s3  }
0xc: {  	[smem:$0x3FB0] =	sst s4  }
0xd: {  	[smem:$0x3FB1] =	sst s5  }
0xe: {  	[smem:$0x3FB2] =	sst s6  }
0xf: {  	[smem:$0x3FB3] =	sst s7  }
0x10: {  	[smem:$0x3FB4] =	sst s8  }
0x11: {  	[smem:$0x3FB5] =	sst s9;
	s0 =	simm.s32 @!p0 $0x0  }
0x12: {  	s1 =	sld [smem:$0x3F9B];
	s0 =	simm.s32 @p0 $0x1  }
0x13: {  	[smem:$0x3FB6] =	sst s0;
	s0 =	simm.s32 @!p1 $0x0  }
0x14: {  	s2 =	sld [smem:$0x3F9A];
	s0 =	simm.s32 @p1 $0x1  }
0x15: {  	[smem:$0x3FB7] =	sst s0;
	s0 =	simm.s32 @!p2 $0x0  }
0x16: {  	s3 =	sld [smem:$0x3FDB];
	s0 =	simm.s32 @p2 $0x1  }
0x17: {  	s4 =	simm.s32 $0x1BF5;
	[smem:$0x3FB9] =	sst s0  }
0x18: {  	s0 =	sld [smem:$0x3F9C];
	_ =	swait.ge [sflag:s4], $0x0  }
0x19: {  	s7 =	sld [smem:$0x3F9D]  }
0x1a: {  	s8 =	sadd.s32 $0xFFFFE003, lr  }
0x1b: {  	s9 =	sadd.s32 $0xFFFFFEF7, lr;
	s5 =	simm.s32 $0xFFFFFFFF;
	p2 =	slt.u32 s8, $0xFFFFF086  }
0x1c: {  	p1 =	slt.u32 s9, $0xF7A;
	s5 =	simm.s32 @!p2 $0x0  }
0x1d: {  	s5 =	simm.s32 @p1 $0x1;
	p0 =	seq.s32 s7, s2  }
0x1e: {  	s7 =	smul.u32 @!p0 $0xF7A, s2;
	p2 =	seq.s32 @!p0 s5, $0x0  }
0x1f: {  	s9 =	smul.u32 $0xF7A, s1;
	s8 =	simm.s32 @!p0 $0x1BF5;
	p2 =	por !p2, p0  }
0x20: {  	[sflag:s8] =	ssyncset.s32 @!p0 $0xFFFFF086;
	s6 =	sadd.s32 @!p0 s3, s7;
	s7 =	simm.s32 @!p0 $0x108  }
0x21: {  	s3 =	sadd.s32 s3, s9;
	s6 =	sadd.s32 @!p0 $0x88, s6;
	s7 =	simm.s32 @p2 $0x1082  }
0x22: {  	[simem:s7], [sflag:s8] =	dma.local @!p0 [hbm:s6], $0xF7A  }
0x23: {  	s9 =	sor.u32 $0xD0000000, s2;
	s6 =	simm.s32 $0x108;
	_ =	swait.ge @!p0 [sflag:s8], $0x0  }
0x24: {  	s3 =	sadd.s32 $0x88, s3;
	s6 =	simm.s32 @!p1 $0x1082;
	[sflag:s4] =	ssyncset.s32 $0xFFFFF086  }
0x25: {  	[simem:s6], [sflag:s4] =	dma.local [hbm:s3], $0xF7A  }
0x26: {  	[smem:$0x3F9D] =	sst s1;
	(tag) =	ssettag s2;
	_ =	strace s9  }
0x27: {  	s1 =	sld [smem:$0x3FAD]  }
0x28: {  	s2 =	sld [smem:$0x3FAE]  }
0x29: {  	s4 =	sld [smem:$0x3FB0]  }
0x2a: {  	p0 =	seq.s32 s5, $0x0;
	s5 =	sld [smem:$0x3FB1]  }
0x2b: {  	s6 =	sld [smem:$0x3FB2]  }
0x2c: {  	s7 =	sld [smem:$0x3FB3]  }
0x2d: {  	s3 =	simm.s32 $0x108;
	s8 =	sld [smem:$0x3FB4]  }
0x2e: {  	s3 =	simm.s32 @!p0 $0x1082;
	s9 =	sld [smem:$0x3FB5]  }
0x2f: {  	lr =	sadd.s32 s0, s3;
	s0 =	sld [smem:$0x3FAC]  }
0x30: {  	s3 =	sld [smem:$0x3FAF]  }
0x31: {  	[smem:$0x3FB8] =	sst s10  }
0x32: {  	s10 =	sld [smem:$0x3FB6];
	_ =	sdelay $0x3  }
0x33: {  	p0 =	seq.s32 s10, $0x1;
	s10 =	sld [smem:$0x3FB8];
	_ =	sdelay $0x3  }
0x34: {  	[smem:$0x3FB8] =	sst s10  }
0x35: {  	s10 =	sld [smem:$0x3FB7];
	_ =	sdelay $0x3  }
0x36: {  	p1 =	seq.s32 s10, $0x1;
	s10 =	sld [smem:$0x3FB8];
	_ =	sdelay $0x3  }
0x37: {  	[smem:$0x3FB8] =	sst s10  }
0x38: {  	s10 =	sld [smem:$0x3FB9]  }
0x39: {  	_ = 	snop;
	(pc) =	sbr.ind lr, $3  }
0x3a: {  	_ = 	snop  }
0x3b: {  	_ = 	snop  }
0x3c: {  	p2 =	seq.s32 s10, $0x1;
	s10 =	sld [smem:$0x3FB8]  }
0x3d: {  	_ =	shalt  }
0x3e: {  	_ =	shalt  }
0x3f: {  	_ =	shalt  }
0x40: {  	_ =	shalt  }
0x41: {  	_ =	shalt  }
0x42: {  	_ =	shalt  }
0x43: {  	_ =	shalt  }
0x44: {  	_ =	shalt  }
0x45: {  	_ =	shalt  }
0x46: {  	_ =	shalt  }
0x47: {  	_ =	shalt  }
0x48: {  	_ =	shalt  }
0x49: {  	_ =	shalt  }
0x4a: {  	_ =	shalt  }
0x4b: {  	_ =	shalt  }
0x4c: {  	_ =	shalt  }
0x4d: {  	_ =	shalt  }
0x4e: {  	_ =	shalt  }
0x4f: {  	_ =	shalt  }
0x50: {  	_ =	shalt  }
0x51: {  	_ =	shalt  }
0x52: {  	_ =	shalt  }
0x53: {  	_ =	shalt  }
0x54: {  	_ =	shalt  }
0x55: {  	_ =	shalt  }
0x56: {  	_ =	shalt  }
0x57: {  	_ =	shalt  }
0x58: {  	_ =	shalt  }
0x59: {  	_ =	shalt  }
0x5a: {  	_ =	shalt  }
0x5b: {  	_ =	shalt  }
0x5c: {  	_ =	shalt  }
0x5d: {  	_ =	shalt  }
0x5e: {  	_ =	shalt  }
0x5f: {  	_ =	shalt  }
0x60: {  	_ =	shalt  }
0x61: {  	_ =	shalt  }
0x62: {  	_ =	shalt  }
0x63: {  	_ =	shalt  }
0x64: {  	_ =	shalt  }
0x65: {  	_ =	shalt  }
0x66: {  	_ =	shalt  }
0x67: {  	_ =	shalt  }
0x68: {  	_ =	shalt  }
0x69: {  	_ =	shalt  }
0x6a: {  	_ =	shalt  }
0x6b: {  	_ =	shalt  }
0x6c: {  	_ =	shalt  }
0x6d: {  	_ =	shalt  }
0x6e: {  	_ =	shalt  }
0x6f: {  	_ =	shalt  }
0x70: {  	_ =	shalt  }
0x71: {  	_ =	shalt  }
0x72: {  	_ =	shalt  }
0x73: {  	_ =	shalt  }
0x74: {  	_ =	shalt  }
0x75: {  	_ =	shalt  }
0x76: {  	_ =	shalt  }
0x77: {  	_ =	shalt  }
0x78: {  	_ =	shalt  }
0x79: {  	_ =	shalt  }
0x7a: {  	_ =	shalt  }
0x7b: {  	_ =	shalt  }
0x7c: {  	_ =	shalt  }
0x7d: {  	_ =	shalt  }
0x7e: {  	_ =	shalt  }
0x7f: {  	_ =	shalt  }
0x80: {  	_ =	shalt  }
0x81: {  	_ =	shalt  }
0x82: {  	_ =	shalt  }
0x83: {  	_ =	shalt  }
0x84: {  	_ =	shalt  }
0x85: {  	_ =	shalt  }
0x86: {  	_ =	shalt  }
0x87: {  	_ =	shalt  }
.Lfunc_end0:
.L_simem_size_0:
called_computation_lowered:
.L_overlay_start_0:
0x88: {  	s2 =	sld [smem:$0x3FD9]  }
0x89: {  	s3 =	sld [smem:$0x3FFE];
	_ =	sdelay $0x1  }
0x8a: {  	s1 =	srdreg.scid  }
0x8b: {  	s0 =	sand.u32 $0x1, s1  }
0x8c: {  	s18 =	sshll.u32 s0, $0xA;
	s2 =	sadd.s32 s3, s2  }
0x8d: {  	s2 =	sadd.s32 s2, s18  }
0x8e: {  	[smem:$0x3FC4] =	sst s2  }
0x8f: {  	_ = 	snop  }
0x90: {  	s2 =	sld [smem:$0x3FC9]  }
0x91: {  	s19 =	sld [smem:$0x3FC8]  }
0x92: {  	s4 =	sld [smem:$0x3FC7]  }
0x93: {  	s5 =	sld [smem:$0x3FC6]  }
0x94: {  	s6 =	sld [smem:$0x3FD0];
	(tm) =	ssettm $0x1  }
0x95: {  	s7 =	sld [smem:$0x3FFB];
	_ =	sdelay $0x3  }
0x96: {  	_ =	strace s7  }
0x97: {  	s7 =	sld [smem:$0x3FFC];
	_ =	sdelay $0x3  }
0x98: {  	_ =	strace s7  }
0x99: {  	s7 =	sld [smem:$0x3FFD];
	_ =	sdelay $0x3  }
0x9a: {  	_ =	strace s7  }
0x9b: {  	_ =	strace $0x8FFFFFFF  }
0x9c: {  	s20 =	sld [smem:$0x3FDB];
	_ =	sdelay $0x1  }
0x9d: {  	s8 =	simm.s32 $_scs_section_size  }
0x9e: {  	s9 =	simm.s32 $_size__tile_overlayer_lowered;
	s10 =	simm.s32 $_tile_overlayer_lowered  }
0x9f: {  	s23 =	simm.s32 $0x1BFF;
	s22 =	sshll.u32 s10, $0x1;
	s7 =	sadd.s32 s8, s20  }
0xa0: {  	s11 =	simm.s32 $0x0;
	s21 =	sshll.u32 s9, $0x1;
	s9 =	sadd.s32 s22, s7  }
0xa1: {  	[timem:s11], [sflag:s23] =	dma.local [hbm:s9], s21  }
0xa2: {  	_ =	swait.ge [sflag:s23], s21  }
0xa3: {  	s8 =	ssub.s32 $0x0, s21;
	[sflag:s23] =	ssyncset.done $0x0  }
0xa4: {  	[sflag:s23] =	ssyncadd.s32 s8;
	_ =	sdelay $0x1  }
0xa5: {  	s24 =	simm.s32 $0x1B8B  }
0xa6: {  	_ =	swait.ge [sflag:s24], $0x1  }
0xa7: {  	[sflag:s24] =	ssyncset.done $0x0  }
0xa8: {  	s25 =	simm.s32 $0x1B8E;
	[sflag:s24] =	ssyncadd.s32 $0xFFFFFFFF  }
0xa9: {  	s26 =	simm.s32 $execute0_lowered;
	[smem:$0x3FD2] =	sst s25  }
0xaa: {  	s8 =	sshll.u32 s26, $0x1;
	_ =	strace $0x80000046;
	[dreg:$0x1] =	wrdreg $0xFFFFFFFF  }
0xab: {  	s28 =	simm.s32 $_size_execute0_lowered;
	s7 =	sadd.s32 s7, s8;
	[dreg:$0x0] =	wrdreg $0x0  }
0xac: {  	s8 =	sshll.u32 s28, $0x1;
	[dreg:$0x2] =	wrdreg s7  }
0xad: {  	[dreg:$0x3] =	wrdreg s8  }
0xae: {  	[dreg:$0x4] =	wrdreg $0xC0  }
0xaf: {  	_ =	task [dreg:s11], $0x5FFFF  }
0xb0: {  	[dreg:$0x1] =	wrdreg $0xFFFFFFFF  }
0xb1: {  	[dreg:$0x0] =	wrdreg $0x60  }
0xb2: {  	[dreg:$0x2] =	wrdreg s2  }
0xb3: {  	[dreg:$0x3] =	wrdreg s19  }
0xb4: {  	[dreg:$0x4] =	wrdreg s4  }
0xb5: {  	[dreg:$0x5] =	wrdreg s5  }
0xb6: {  	[dreg:$0x6] =	wrdreg s6  }
0xb7: {  	[dreg:$0x7] =	wrdreg $0x9  }
0xb8: {  	_ =	task.clear_ibuf [dreg:s11], $0x8FFFF;
	_ =	strace $0x90000046  }
0xb9: {  	s29 =	simm.s32 $0x9;
	_ =	strace $0x80000048  }
0xba: {  	_ =	swait.ge [sflag:s29], $0x1  }
0xbb: {  	[sflag:s29] =	ssyncadd.s32 $0xFFFFFFFF  }
0xbc: {  	_ =	strace $0x90000048  }
0xbd: {  	_ =	sfence  }
0xbe: {  	s30 =	sld [smem:$0x0];
	_ =	sdelay $0x2  }
0xbf: {  	s31 =	sshll.u32 s1, $0xD;
	s1 =	sshrl.u32 s1, $0x2  }
0xc0: {  	s3 =	sand.u32 $0x4000, s31;
	s1 =	sadd.s32 s1, s30  }
0xc1: {  	s0 =	sor.u32 s3, s0;
	s1 =	sshll.u32 s1, $0x11  }
0xc2: {  	s0 =	sor.u32 s1, s0  }
0xc3: {  	s0 =	sadd.s32 $0x8F2B, s0  }
0xc4: {  	[sflag:s0] =	ssyncadd.remote.s32 $0x1  }
0xc5: {  	_ =	sfence.sel $0xFFFF  }
0xc6: {  	[dreg:$0x0] =	wrdreg $0xFFFFFFFF;
	(pc) =	sbr.abs _section_cstart, $3  }
0xc7: {  	[dreg:$0x1] =	wrdreg $0xFFFFFFFF  }
0xc8: {  	_ =	task.clear_ibuf [dreg:s11], $0x2FFFF;
	_ =	strace $0x9FFFFFFF  }
0xc9: {  	(tm) =	ssettm $0x7FFFFFFF  }
tec
execute0_lowered:
.L_overlay_start_1:
0x0: {  	(tag) =	ssettag $0x1  }
0x1: {  	v1 =	vimm.f32 $5.000000000e+00;
	vm0 =	vcmask $0x300;
	vm1 =	vcmask $0x704  }
0x2: {  	v2 =	vimm.f32 $2.100000000e+01;
	vm2 =	vcmask $0xB08;
	v1 =	vsel vm0, $0xC1200000, v1  }
0x3: {  	vm4 =	vcmask $0xF0C;
	v2 =	vsel vm0, $0x40C00000, v2;
	v1 =	vsel vm1, $0xC1100000, v1  }
0x4: {  	vm5 =	vcmask $0x1310;
	v2 =	vsel vm1, $0x40E00000, v2;
	v1 =	vsel vm2, $0xC1000000, v1  }
0x5: {  	vm6 =	vcmask $0x1714;
	v2 =	vsel vm2, $0x41000000, v2;
	v1 =	vsel vm4, $0xC0E00000, v1  }
0x6: {  	vm7 =	vcmask $0x1B18;
	v2 =	vsel vm4, $0x41100000, v2;
	v1 =	vsel vm5, $0xC0C00000, v1  }
0x7: {  	vm8 =	vcmask $0x1F1C;
	v2 =	vsel vm5, $0x41200000, v2;
	v1 =	vsel vm6, $0xC0A00000, v1  }
0x8: {  	vm9 =	vcmask $0x2320;
	v2 =	vsel vm6, $0x41300000, v2;
	v1 =	vsel vm7, $0xC0800000, v1  }
0x9: {  	vm10 =	vcmask $0x2724;
	v2 =	vsel vm7, $0x41400000, v2;
	v1 =	vsel vm8, $0xC0400000, v1  }
0xa: {  	s0 =	srdreg.scid;
	s1 =	stileid.u32;
	vm11 =	vcmask $0x2B28;
	v2 =	vsel vm8, $0x41500000, v2;
	v1 =	vsel vm9, $0xC0000000, v1  }
0xb: {  	s3 =	rddreg [dreg:$0x4];
	s6 =	simm.s32 $0x0;
	vm12 =	vcmask $0x2F2C;
	s11 =	simm.s32 $0x1;
	v2 =	vsel vm9, $0x41600000, v2;
	v1 =	vsel vm10, $0xBF800000, v1  }
0xc: {  	vm13 =	vcmask $0x3330;
	s14 =	simm.s32 $0xB80;
	s0 =	sand.u32 $0x1, s0;
	s1 =	sshll.u32 s1, $0x1;
	v2 =	vsel vm10, $0x41700000, v2;
	v1 =	vsel vm11, $0x0, v1  }
0xd: {  	vm14 =	vcmask $0x3734;
	s15 =	simm.s32 $0xC00;
	s17 =	simm.s32 $0x0;
	s1 =	sor.u32 s0, s1;
	v2 =	vsel vm11, $0x41800000, v2;
	v1 =	vsel vm12, $0x3F800000, v1  }
0xe: {  	vm15 =	vcmask $0x3B38;
	[smem:$0x7FF] =	sst s6;
	s0 =	ssub.s32 $0x2, s0;
	s2 =	sshll.u32 s1, $0x6;
	v2 =	vsel vm12, $0x41880000, v2;
	v1 =	vsel vm13, $0x40000000, v1  }
0xf: {  	v5 =	vimm.f32 $1.000000000e+00;
	_ =	strace $0x80000047;
	s4 =	sshrl.u32 s0, $0x1;
	s5 =	scvt.s32.f32 s2;
	v4 =	vsel vm13, $0x41900000, v2;
	v3 =	vsel vm14, $0x40400000, v1  }
0x10: {  	s1 =	sshll.u32 s1, $0x3;
	v0 =	vmov s2;
	s0 =	ssub.s32 s0, s4;
	s2 =	sadd.s32 $0x40, s2;
	v2 =	vsel vm15, $0x40800000, v3;
	v3 =	vsel vm14, $0x41980000, v4  }
0x11: {  	s8 =	sadd.s32 s3, s1;
	s9 =	smax.u32 s0, $0x1;
	s7 =	sadd.f32 $-5.000000000e-01, s5;
	v1 =	vmov s2;
	v4 =	vimm.f32 $0.0e+00;
	v3 =	vsel vm15, $0x41A00000, v3  }
.LBB2_1:
0x12: {  	s0 =	rddreg [dreg:$0x3];
	s1 =	simm.s32 $0xB00  }
0x13: {  	[tilespmem:s1], [sflag:$0x1] =	stream.linear.gather [hbm4b:s0+s6], $0x80, $0x38;
	[tilespmem:$0xD00] =	vst v63  }
0x14: {  	_ =	swait.ge [sflag:s11], $0x80  }
0x15: {  	[sflag:s11] =	ssyncset.done $0x0  }
0x16: {  	[sflag:s11] =	ssyncadd.s32 $0xFFFFFF80  }
0x17: {  	s26 =	rddreg [dreg:$0x0]  }
0x18: {  	[tilespmem:s6], [sflag:$0x1] =	stream.linear.gather [hbm4b:s26+s6], $0x800, $0x38;
	[tilespmem:$0xD00] =	vst v63  }
0x19: {  	_ =	swait.ge [sflag:s11], $0x800  }
0x1a: {  	[sflag:s11] =	ssyncset.done $0x0  }
0x1b: {  	[sflag:s11] =	ssyncadd.s32 $0xFFFFF800  }
0x1c: {  	v6 =	vld [tilespmem:$0xB00];
	_ =	sdelay $0x4  }
0x1d: {  	(v2sf) =	vpush v6, $0x1  }
0x1e: {  	(v2sf) =	vpush v6, $0x4;
	_ =	sdelay $0x3  }
0x1f: {  	(v2sf) =	vpush v6, $0x9;
	_ =	sdelay $0x1  }
0x20: {  	(v2sf) =	vpush v6, $0x6;
	_ =	sdelay $0x1  }
0x21: {  	(v2sf) =	vpush v6, $0x7;
	_ =	sdelay $0x5  }
0x22: {  	s28 =	spop (v2sf)  }
0x23: {  	s29 =	spop (v2sf)  }
0x24: {  	s1 =	smul.f32 s29, s7;
	_ =	sdelay $0x1  }
0x25: {  	s0 =	sadd.f32 s1, s28  }
0x26: {  	s30 =	spop (v2sf)  }
0x27: {  	s0 =	smul.f32 s0, s30  }
0x28: {  	s31 =	spop (v2sf)  }
0x29: {  	s0 =	ssub.f32 s0, s31  }
0x2a: {  	s2 =	spop (v2sf)  }
0x2b: {  	s0 =	smul.f32 s0, s2;
	_ =	sdelay $0x1  }
0x2c: {  	s0 =	smax.f32 s0, $0.0e+00  }
0x2d: {  	s0 =	scvt.f32.s32 s0;
	_ =	sdelay $0x1  }
0x2e: {  	s0 =	sadd.s32 $0xFFFFFFF2, s0  }
0x2f: {  	s0 =	sand.u32 $0xFFFFFFF8, s0  }
0x30: {  	p0 =	sgt.s32 s0, $0x0  }
0x31: {  	s0 =	simm.s32 @!p0 $0x0  }
0x32: {  	s0 =	smin.u32 s0, $0x3EA0  }
0x33: {  	s3 =	rddreg [dreg:$0x2];
	s0 =	sshrl.u32 s0, $0x3  }
0x34: {  	s2 =	simm.s32 $0x980;
	s1 =	sadd.s32 s3, s0  }
0x35: {  	[tilespmem:s2], [sflag:$0x1] =	stream.linear.gather [hbm4b:s1+s6], $0x160, $0x38;
	[tilespmem:$0xD00] =	vst v63  }
0x36: {  	_ =	swait.ge [sflag:s11], $0x160  }
0x37: {  	[sflag:s11] =	ssyncset.done $0x0  }
0x38: {  	[sflag:s11] =	ssyncadd.s32 $0xFFFFFEA0  }
0x39: {  	v7 =	vmul.f32 $1.442695020e+00, v6;
	s4 =	rddreg [dreg:$0x1]  }
0x3a: {  	s5 =	simm.s32 $0x800;
	s0 =	sadd.s32 s4, s0  }
0x3b: {  	v7 =	vbroadcast v7, $0x8;
	[tilespmem:s5], [sflag:$0x1] =	stream.linear.gather [hbm4b:s0+s6], $0x160, $0x38;
	[tilespmem:$0xD00] =	vst v63  }
0x3c: {  	_ =	swait.ge [sflag:s11], $0x160  }
0x3d: {  	(erf) = vpow2.f32 v7;
	_ =	sdelay $0x8  }
0x3e: {  	v7 =	vpop (erf)  }
0x3f: {  	(erf) = vrcp.f32 v7;
	_ =	sdelay $0x8  }
0x40: {  	v7 =	vpop (erf)  }
0x41: {  	v8 =	vmul.f32 v2, v7;
	_ =	sdelay $0x1  }
0x42: {  	v9 =	vmul.f32 $-5.000000000e-01, v8;
	_ =	sdelay $0x1  }
0x43: {  	v8 =	vmul.f32 v9, v8;
	_ =	sdelay $0x1  }
0x44: {  	v8 =	vmul.f32 $1.442695020e+00, v8;
	_ =	sdelay $0x1  }
0x45: {  	(erf) = vpow2.f32 v8;
	_ =	sdelay $0x8  }
0x46: {  	v8 =	vpop (erf)  }
0x47: {  	(v2sf) =	vpush v8, $0x0  }
0x48: {  	(v2sf) =	vpush v8, $0x1;
	_ =	sdelay $0x1  }
0x49: {  	(v2sf) =	vpush v8, $0x2;
	_ =	sdelay $0x1  }
0x4a: {  	(v2sf) =	vpush v8, $0x3;
	_ =	sdelay $0x1  }
0x4b: {  	(v2sf) =	vpush v8, $0x4;
	_ =	sdelay $0x1  }
0x4c: {  	(v2sf) =	vpush v8, $0x5;
	_ =	sdelay $0x1  }
0x4d: {  	(v2sf) =	vpush v8, $0x6;
	_ =	sdelay $0x1  }
0x4e: {  	v7 =	vmul.f32 v3, v7;
	(v2sf) =	vpush v8, $0x7;
	_ =	sdelay $0x1  }
0x4f: {  	v9 =	vmul.f32 $-5.000000000e-01, v7;
	s12 =	spop (v2sf);
	(v2sf) =	vpush v8, $0x8  }
0x50: {  	s13 =	spop (v2sf)  }
0x51: {  	v7 =	vmul.f32 v9, v7;
	(v2sf) =	vpush v8, $0x9;
	s10 =	sadd.f32 s13, s12  }
0x52: {  	s16 =	spop (v2sf)  }
0x53: {  	v7 =	vmul.f32 $1.442695020e+00, v7;
	(v2sf) =	vpush v8, $0xA;
	s0 =	sadd.f32 s10, s16  }
0x54: {  	s10 =	spop (v2sf)  }
0x55: {  	(erf) = vpow2.f32 v7;
	(v2sf) =	vpush v8, $0xB;
	s0 =	sadd.f32 s0, s10  }
0x56: {  	s4 =	spop (v2sf)  }
0x57: {  	(v2sf) =	vpush v8, $0xC;
	s0 =	sadd.f32 s0, s4  }
0x58: {  	s3 =	spop (v2sf)  }
0x59: {  	(v2sf) =	vpush v8, $0xD;
	s0 =	sadd.f32 s0, s3  }
0x5a: {  	s2 =	spop (v2sf)  }
0x5b: {  	(v2sf) =	vpush v8, $0xE;
	s0 =	sadd.f32 s0, s2  }
0x5c: {  	s1 =	spop (v2sf)  }
0x5d: {  	(v2sf) =	vpush v8, $0xF;
	s5 =	sadd.f32 s0, s1  }
0x5e: {  	v7 =	vpop (erf);
	s0 =	spop (v2sf)  }
0x5f: {  	(v2sf) =	vpush v7, $0x0;
	s18 =	sadd.f32 s5, s0  }
0x60: {  	s5 =	spop (v2sf)  }
0x61: {  	(v2sf) =	vpush v7, $0x1;
	s18 =	sadd.f32 s18, s5  }
0x62: {  	s31 =	spop (v2sf)  }
0x63: {  	(v2sf) =	vpush v7, $0x2;
	s18 =	sadd.f32 s18, s31  }
0x64: {  	s30 =	spop (v2sf)  }
0x65: {  	(v2sf) =	vpush v7, $0x3;
	s18 =	sadd.f32 s18, s30  }
0x66: {  	s29 =	spop (v2sf)  }
0x67: {  	(v2sf) =	vpush v7, $0x4;
	s18 =	sadd.f32 s18, s29  }
0x68: {  	s26 =	spop (v2sf)  }
0x69: {  	s18 =	sadd.f32 s18, s26  }
0x6a: {  	s24 =	spop (v2sf)  }
0x6b: {  	s18 =	sadd.f32 s18, s24  }
0x6c: {  	s25 =	spop (v2sf)  }
0x6d: {  	s18 =	sadd.f32 s18, s25  }
0x6e: {  	s22 =	spop (v2sf)  }
0x6f: {  	s18 =	sadd.f32 s18, s22  }
0x70: {  	s23 =	spop (v2sf)  }
0x71: {  	s18 =	sadd.f32 s18, s23  }
0x72: {  	s21 =	spop (v2sf)  }
0x73: {  	s18 =	sadd.f32 s18, s21  }
0x74: {  	s20 =	spop (v2sf)  }
0x75: {  	s18 =	sadd.f32 s18, s20  }
0x76: {  	s19 =	spop (v2sf)  }
0x77: {  	s18 =	sadd.f32 s18, s19;
	_ =	sdelay $0x1  }
0x78: {  	v7 =	vmov s18  }
0x79: {  	(erf) = vrcp.f32 v7;
	_ =	sdelay $0x8  }
0x7a: {  	v7 =	vpop (erf)  }
0x7b: {  	(v2sf) =	vpush v7, $0x0;
	_ =	sdelay $0x3  }
0x7c: {  	[sflag:s11] =	ssyncset.done $0x0  }
0x7d: {  	[sflag:s11] =	ssyncadd.s32 $0xFFFFFEA0  }
0x7e: {  	[tilespmem:$0xB80] =	vst v4  }
0x7f: {  	[tilespmem:$0xC00] =	vst v4  }
0x80: {  	[tilespmem:$0xB90] =	vst v4  }
0x81: {  	[tilespmem:$0xC10] =	vst v4  }
0x82: {  	[tilespmem:$0xBA0] =	vst v4  }
0x83: {  	[tilespmem:$0xC20] =	vst v4  }
0x84: {  	[tilespmem:$0xBB0] =	vst v4  }
0x85: {  	[tilespmem:$0xC30] =	vst v4;
	s18 =	simm.s32 $0x0  }
0x86: {  	v10 =	vld [tilespmem:s18+$0x981]  }
0x87: {  	v11 =	vld [tilespmem:s18+$0x980];
	s28 =	spop (v2sf)  }
0x88: {  	v12 =	vld [tilespmem:s18+$0x80A];
	s12 =	smul.f32 s28, s12  }
0x89: {  	v13 =	vld [tilespmem:s18+$0x982];
	s13 =	smul.f32 s28, s13;
	_ =	sdelay $0x1  }
0x8a: {  	v9 =	vbroadcast v6, $0x0;
	v14 =	vld [tilespmem:s18+$0x983];
	s16 =	smul.f32 s28, s16;
	v7 =	vmov s12;
	v8 =	vmov s13  }
0x8b: {  	v15 =	vmul.f32 v11, v7;
	v16 =	vmul.f32 v10, v8  }
0x8c: {  	v17 =	vld [tilespmem:s18+$0x984];
	v32 =	vmul.f32 v12, v9;
	s10 =	smul.f32 s28, s10;
	v10 =	vmov s16  }
0x8d: {  	v11 =	vbroadcast v6, $0x1;
	v15 =	vadd.f32 v16, v15;
	v16 =	vmul.f32 v13, v10  }
0x8e: {  	v18 =	vld [tilespmem:s18+$0x985];
	s4 =	smul.f32 s28, s4;
	v12 =	vmov s10;
	v13 =	vbroadcast v6, $0x3  }
0x8f: {  	v19 =	vsub.f32 v32, v11;
	v15 =	vadd.f32 v16, v15;
	v16 =	vmul.f32 v14, v12  }
0x90: {  	v20 =	vld [tilespmem:s18+$0x986];
	s3 =	smul.f32 s28, s3;
	v14 =	vmov s4  }
0x91: {  	v19 =	vmul.f32 v19, v13;
	v17 =	vmul.f32 v17, v14;
	v16 =	vadd.f32 v16, v15  }
0x92: {  	v21 =	vld [tilespmem:s18+$0x987];
	s2 =	smul.f32 s28, s2;
	v15 =	vmov s3  }
0x93: {  	v19 =	vadd.f32 $5.000000000e-01, v19;
	v18 =	vmul.f32 v18, v15;
	v17 =	vadd.f32 v17, v16  }
0x94: {  	v22 =	vld [tilespmem:s18+$0x988];
	s1 =	smul.f32 s28, s1;
	v16 =	vmov s2  }
0x95: {  	v19 =	vmax.f32 v19, $0.0e+00;
	v20 =	vmul.f32 v20, v16;
	v18 =	vadd.f32 v18, v17  }
0x96: {  	v23 =	vld [tilespmem:s18+$0x989];
	s0 =	smul.f32 s28, s0;
	v19 =	vmin.f32 v19, $2.047000000e+03;
	v17 =	vmov s1  }
0x97: {  	v19 =	vtrunc.f32 v19;
	v21 =	vmul.f32 v21, v17;
	v20 =	vadd.f32 v20, v18  }
0x98: {  	v24 =	vld [tilespmem:s18+$0x98A];
	s4 =	smul.f32 s28, s5;
	v33 =	vcvt.f32.s32 v19;
	v18 =	vmov s0  }
0x99: {  	v20 =	vadd.f32 v21, v20;
	v21 =	vmul.f32 v22, v18  }
0x9a: {  	s5 =	smul.f32 s28, s31;
	v19 =	vmov s4;
	v22 =	vadd.s32 $0xFFFFFFFF, v33  }
0x9b: {  	v25 =	vld [tilespmem:s18+$0x98B];
	v23 =	vmul.f32 v23, v19;
	vm0 =	vgt.s32 v22, $0x0;
	v21 =	vadd.f32 v21, v20  }
0x9c: {  	v26 =	vld [tilespmem:s18+$0x98C];
	v20 =	vmov s5;
	v34 =	vnsel vm0, $0x0, v22  }
0x9d: {  	v27 =	vld [tilespmem:s18+$0x98D];
	s10 =	smul.f32 s28, s30;
	v22 =	vadd.f32 v23, v21;
	v23 =	vmul.f32 v24, v20;
	v24 =	vadd.s32 $0x1, v33  }
0x9e: {  	v29 =	vld [tilespmem:s18+$0x98E];
	vm0 =	vlt.s32 v24, $0x7FF  }
0x9f: {  	v31 =	vld [tilespmem:s18+$0x98F];
	s12 =	smul.f32 s28, s29;
	v21 =	vmov s10;
	v35 =	vnsel vm0, $0x7FF, v24  }
0xa0: {  	v28 =	vld.idx.msk [tilespmem:v33+s6+$0x0], $0xffff;
	v25 =	vmul.f32 v25, v21;
	v23 =	vadd.f32 v23, v22  }
0xa1: {  	v41 =	vld [tilespmem:s18+$0x992];
	s13 =	smul.f32 s28, s26;
	v22 =	vmov s12  }
0xa2: {  	s29 =	smul.f32 s28, s21;
	v30 =	vld.idx.msk [tilespmem:v34+s6+$0x0], $0xffff;
	v24 =	vadd.f32 v25, v23;
	v25 =	vmul.f32 v26, v22  }
0xa3: {  	v36 =	vld [tilespmem:s18+$0x990];
	s16 =	smul.f32 s28, s24;
	v23 =	vmov s13  }
0xa4: {  	vm1 =	vgt.f32 v32, v11;
	v26 =	vmul.f32 v27, v23;
	v25 =	vadd.f32 v25, v24;
	v37 =	vld.idx.msk [tilespmem:v35+s6+$0x0], $0xffff  }
0xa5: {  	v38 =	vld [tilespmem:s18+$0x991];
	s24 =	smul.f32 s28, s25;
	v39 =	vsub.f32 v28, v32;
	v28 =	vmov s29;
	v24 =	vmov s16  }
0xa6: {  	s25 =	smul.f32 s28, s22;
	v41 =	vmul.f32 v41, v28;
	v29 =	vmul.f32 v29, v24;
	v27 =	vadd.f32 v26, v25  }
0xa7: {  	s26 =	smul.f32 s28, s23;
	v39 =	vmul.f32 v39, v39;
	v25 =	vmov s24;
	v30 =	vsub.f32 v30, v32  }
0xa8: {  	v42 =	vld [tilespmem:s18+$0x993];
	v26 =	vmov s25;
	v31 =	vmul.f32 v31, v25;
	v29 =	vadd.f32 v29, v27  }
0xa9: {  	s30 =	smul.f32 s28, s20;
	v27 =	vmov s26;
	v40 =	vmul.f32 v30, v30;
	v37 =	vsub.f32 v37, v32  }
0xaa: {  	v36 =	vmul.f32 v36, v26;
	v38 =	vmul.f32 v38, v27;
	v31 =	vadd.f32 v31, v29  }
0xab: {  	v29 =	vmov s30;
	vm0 =	vlt.f32 v39, v40;
	v37 =	vmul.f32 v37, v37  }
0xac: {  	v39 =	vsel vm0, v39, v40;
	v36 =	vadd.f32 v36, v31;
	v31 =	vbroadcast v6, $0x2  }
0xad: {  	v60 =	vsel vm0, v33, v34;
	v62 =	vmul.f32 v42, v29;
	vm0 =	vlt.f32 v37, v39  }
0xae: {  	v59 =	vld [tilespmem:s18+$0x994];
	v36 =	vadd.f32 v38, v36;
	vm2 =	vlt.f32 v32, v31;
	v32 =	vsel vm0, v35, v60  }
0xaf: {  	vm0 =	vmand vm1, vm2;
	vm1 =	vge.s32 v32, v0;
	v35 =	vsub.s32 v32, v0  }
0xb0: {  	s31 =	smul.f32 s28, s19;
	vm2 =	vgt.s32 v35, $0x0;
	vm0 =	vmand vm0, vm1;
	vm1 =	vlt.s32 v32, v1  }
0xb1: {  	v61 =	vadd.f32 v41, v36;
	v35 =	vnsel vm2, $0x0, v35;
	vm0 =	vmand vm1, vm0  }
0xb2: {  	v30 =	vmov s31;
	v32 =	vmin.u32 v35, $0x3F  }
0xb3: {  	v63 =	vmul.f32 v59, v30;
	v33 =	vadd.f32 v62, v61;
	_ =	sdelay $0x1  }
0xb4: {  	s18 =	simm.s32 $0x40;
	v33 =	vadd.f32 v63, v33  }
.LBB2_2:
0xb5: {  	p0 =	sne.s32 s18, $0x4C0;
	s0 =	smov.u32 s18;
	s18 =	sadd.s32 $0x40, s18  }
0xb6: {  	[tilespmem:v32+s14+$0x0] =	vst.idx.add.f32.msk vm0, v33  }
0xb7: {  	s19 =	sshra.s32 s0, $0x2;
	[tilespmem:v32+s15+$0x0] =	vst.idx.add.f32.msk vm0, v5  }
0xb8: {  	v32 =	vld [tilespmem:s19+$0x981]  }
0xb9: {  	v33 =	vld [tilespmem:s19+$0x80A]  }
0xba: {  	v34 =	vld [tilespmem:s19+$0x980]  }
0xbb: {  	v35 =	vld [tilespmem:s19+$0x982];
	_ =	sdelay $0x1  }
0xbc: {  	v36 =	vld [tilespmem:s19+$0x983]  }
0xbd: {  	v33 =	vmul.f32 v33, v9  }
0xbe: {  	v32 =	vmul.f32 v32, v8;
	v34 =	vmul.f32 v34, v7;
	v37 =	vld [tilespmem:s19+$0x984]  }
0xbf: {  	v38 =	vsub.f32 v33, v11;
	vm0 =	vgt.f32 v33, v11;
	vm1 =	vlt.f32 v33, v31  }
0xc0: {  	v32 =	vadd.f32 v32, v34;
	v34 =	vmul.f32 v35, v10;
	v35 =	vld [tilespmem:s19+$0x985];
	vm0 =	vmand vm0, vm1  }
0xc1: {  	v38 =	vmul.f32 v38, v13  }
0xc2: {  	v32 =	vadd.f32 v34, v32;
	v34 =	vmul.f32 v36, v12;
	v36 =	vld [tilespmem:s19+$0x986]  }
0xc3: {  	v38 =	vadd.f32 $5.000000000e-01, v38  }
0xc4: {  	v32 =	vadd.f32 v34, v32;
	v34 =	vmul.f32 v37, v14;
	v37 =	vld [tilespmem:s19+$0x987]  }
0xc5: {  	v38 =	vmax.f32 v38, $0.0e+00  }
0xc6: {  	v32 =	vadd.f32 v34, v32;
	v34 =	vmul.f32 v35, v15;
	v35 =	vld [tilespmem:s19+$0x988];
	v38 =	vmin.f32 v38, $2.047000000e+03  }
0xc7: {  	v38 =	vtrunc.f32 v38  }
0xc8: {  	v32 =	vadd.f32 v34, v32;
	v34 =	vmul.f32 v36, v16;
	v36 =	vld [tilespmem:s19+$0x989];
	v38 =	vcvt.f32.s32 v38;
	_ =	sdelay $0x1  }
0xc9: {  	v32 =	vadd.f32 v34, v32;
	v34 =	vmul.f32 v37, v17;
	v37 =	vld [tilespmem:s19+$0x98A];
	v39 =	vadd.s32 $0xFFFFFFFF, v38  }
0xca: {  	v40 =	vadd.s32 $0x1, v38;
	vm1 =	vgt.s32 v39, $0x0  }
0xcb: {  	v32 =	vadd.f32 v34, v32;
	v34 =	vmul.f32 v35, v18;
	v35 =	vld [tilespmem:s19+$0x98B];
	v39 =	vnsel vm1, $0x0, v39  }
0xcc: {  	vm1 =	vlt.s32 v40, $0x7FF  }
0xcd: {  	v40 =	vnsel vm1, $0x7FF, v40;
	v32 =	vadd.f32 v34, v32;
	v34 =	vmul.f32 v36, v19;
	v36 =	vld [tilespmem:s19+$0x98C]  }
0xce: {  	v41 =	vld [tilespmem:s19+$0x98D]  }
0xcf: {  	v32 =	vadd.f32 v34, v32;
	v34 =	vmul.f32 v37, v20;
	v37 =	vld.idx.msk [tilespmem:v38+s6+$0x0], $0xffff  }
0xd0: {  	v42 =	vld.idx.msk [tilespmem:v39+s6+$0x0], $0xffff  }
0xd1: {  	v32 =	vadd.f32 v34, v32;
	v34 =	vmul.f32 v35, v21;
	v35 =	vld [tilespmem:s19+$0x98E]  }
0xd2: {  	v43 =	vld.idx.msk [tilespmem:v40+s6+$0x0], $0xffff  }
0xd3: {  	v32 =	vadd.f32 v34, v32;
	v34 =	vmul.f32 v36, v22;
	v36 =	vld [tilespmem:s19+$0x98F];
	_ =	sdelay $0x1  }
0xd4: {  	v37 =	vsub.f32 v37, v33;
	v32 =	vadd.f32 v34, v32;
	v34 =	vmul.f32 v41, v23;
	v41 =	vld [tilespmem:s19+$0x990]  }
0xd5: {  	v42 =	vsub.f32 v42, v33  }
0xd6: {  	v32 =	vadd.f32 v34, v32;
	v34 =	vmul.f32 v35, v24;
	v35 =	vld [tilespmem:s19+$0x991]  }
0xd7: {  	v37 =	vmul.f32 v37, v37;
	v42 =	vmul.f32 v42, v42;
	v33 =	vsub.f32 v43, v33  }
0xd8: {  	v32 =	vadd.f32 v34, v32;
	v34 =	vmul.f32 v36, v25;
	v36 =	vld [tilespmem:s19+$0x992]  }
0xd9: {  	v33 =	vmul.f32 v33, v33;
	vm1 =	vlt.f32 v37, v42  }
0xda: {  	v37 =	vsel vm1, v37, v42;
	v32 =	vadd.f32 v34, v32;
	v34 =	vmul.f32 v41, v26  }
0xdb: {  	v38 =	vsel vm1, v38, v39;
	vm1 =	vlt.f32 v33, v37;
	v41 =	vld [tilespmem:s19+$0x993]  }
0xdc: {  	v33 =	vmul.f32 v35, v27;
	v32 =	vadd.f32 v34, v32;
	v34 =	vsel vm1, v40, v38  }
0xdd: {  	v35 =	vmul.f32 v36, v28;
	v36 =	vld [tilespmem:s19+$0x994];
	vm1 =	vge.s32 v34, v0;
	v37 =	vsub.s32 v34, v0  }
0xde: {  	v32 =	vadd.f32 v33, v32;
	vm0 =	vmand vm0, vm1;
	vm1 =	vlt.s32 v34, v1  }
0xdf: {  	vm0 =	vmand vm1, vm0;
	vm1 =	vgt.s32 v37, $0x0  }
.Ltmp0:
0xe0: {  	v33 =	vadd.f32 v35, v32;
	v34 =	vmul.f32 v41, v29;
	v32 =	vnsel vm1, $0x0, v37;
	(pc) =	sbr.rel @p0 .LBB2_2-.Ltmp0, $3  }
0xe1: {  	v32 =	vmin.u32 v32, $0x3F  }
0xe2: {  	v33 =	vadd.f32 v34, v33;
	v34 =	vmul.f32 v36, v30;
	_ =	sdelay $0x1  }
0xe3: {  	v33 =	vadd.f32 v34, v33  }
0xe4: {  	_ =	sdelay $0x4  }
0xe5: {  	[tilespmem:v32+s14+$0x0] =	vst.idx.add.f32.msk vm0, v33  }
0xe6: {  	[tilespmem:v32+s15+$0x0] =	vst.idx.add.f32.msk vm0, v5  }
0xe7: {  	v7 =	vld [tilespmem:$0xC00]  }
0xe8: {  	v8 =	vld [tilespmem:$0xC10]  }
0xe9: {  	v9 =	vld [tilespmem:$0xC20]  }
0xea: {  	v10 =	vld [tilespmem:$0xC30];
	_ =	sdelay $0x1  }
0xeb: {  	(erf) = vrcp.f32 v7  }
0xec: {  	(erf) = vrcp.f32 v8  }
0xed: {  	(erf) = vrcp.f32 v9  }
0xee: {  	(erf) = vrcp.f32 v10;
	_ =	sdelay $0x1  }
0xef: {  	v7 =	vld [tilespmem:$0xB80]  }
0xf0: {  	v59 =	vld [tilespmem:$0xB90]  }
0xf1: {  	v60 =	vld [tilespmem:$0xBA0]  }
0xf2: {  	v61 =	vld [tilespmem:$0xBB0]  }
0xf3: {  	v11 =	vpop (erf)  }
0xf4: {  	v6 =	vbroadcast v6, $0x5;
	v12 =	vpop (erf);
	v7 =	vmul.f32 v11, v7  }
0xf5: {  	v62 =	vpop (erf);
	v8 =	vmul.f32 v12, v59  }
0xf6: {  	v7 =	vmul.f32 v7, v6;
	v9 =	vmul.f32 v62, v60;
	v63 =	vpop (erf)  }
0xf7: {  	v10 =	vmul.f32 v63, v61;
	v8 =	vmul.f32 v8, v6  }
0xf8: {  	[tilespmem:$0xC80] =	vst v7;
	v7 =	vmul.f32 v9, v6  }
0xf9: {  	s17 =	sadd.s32 $0x1, s17;
	[tilespmem:$0xC90] =	vst v8;
	v6 =	vmul.f32 v10, v6  }
0xfa: {  	p0 =	sne.s32 s17, s9;
	[tilespmem:$0xCA0] =	vst v7  }
.Ltmp1:
0xfb: {  	s0 =	simm.s32 $0xC80;
	[tilespmem:$0xCB0] =	vst v6;
	(pc) =	sbr.rel @p0 .LBB2_1-.Ltmp1, $4  }
0xfc: {  	[hbm4b:s8+s6] =	stream.linear.scatter [tilespmem:s0], [sflag:$0x1], $0x40, $0x38;
	[tilespmem:$0xD00] =	vst v63  }
0xfd: {  	_ =	swait.ge [sflag:s11], $0x40  }
0xfe: {  	[sflag:s11] =	ssyncset.done $0x0  }
0xff: {  	[sflag:s11] =	ssyncadd.s32 $0xFFFFFFC0  }
0x100: {  	_ =	sfence.sel $0x180000  }
0x101: {  	[bflag:$0x0] =	sbarrier.arrive $0xFFFF  }
0x102: {  	_ =	strace $0x90000047  }
0x103: {  	s0 =	stileid.u32;
	[bflag:$0x2] =	sbarrier.arrive $0xFFFF  }
0x104: {  	p0 =	sne.s32 s0, $0x0;
	s0 =	rddreg [dreg:$0x5]  }
0x105: {  	s0 =	sadd.s32 @!p0 $0x100000, s0  }
0x106: {  	[sflag:s0] =	ssyncadd.tile.s32 @!p0 $0x1;
	_ =	shalt  }
.Lfunc_end2:
_tile_overlayer_lowered:
.L_overlay_start_2:
0x107: {  	(tag) =	ssettag $0x2  }
0x108: {  	s0 =	rddreg [dreg:$0x0];
	s2 =	stileid.u32  }
0x109: {  	s1 =	rddreg [dreg:$0x1];
	p0 =	sne.s32 s2, $0x0  }
0x10a: {  	s3 =	rddreg [dreg:$0x2];
	[bflag:$0x3] =	sbarrier.arrive $0xFFFF;
	s2 =	simm.s32 @!p0 $0x1C01  }
0x10b: {  	[timem:s3], [sflag:s2] =	dma.local @!p0 [hbm:s0], s1  }
0x10c: {  	s0 =	simm.s32 @!p0 $0x1  }
0x10d: {  	_ =	swait.ge @!p0 [sflag:s0], s1  }
0x10e: {  	s1 =	ssub.s32 @!p0 $0x0, s1;
	[sflag:s0] =	ssyncset.done @!p0 $0x0  }
0x10f: {  	[sflag:s0] =	ssyncadd.s32 @!p0 s1  }
0x110: {  	[bflag:$0x3] =	sbarrier.arrive $0xFFFF  }
0x111: {  	_ =	shalt  }

</sc_bundles>
